<compile_context>
chip_gen: v7x
topology: tpu7x:2x2x1
jax: 0.10.2.dev20260603
libtpu: 0.0.44.dev20260713+nightly
codegen_flags: <defaults>
</compile_context>

<pallas_src>
import functools

import jax
import jax.numpy as jnp
from jax import lax
from jax.experimental import pallas as pl
from jax.experimental.pallas import tpu as pltpu
from jax.experimental.pallas import tpu_sc as plsc

NC = 2
NS = 16
K = 128


def _mesh():
    return plsc.VectorSubcoreMesh(
        core_axis_name="c", subcore_axis_name="s", num_cores=NC, num_subcores=NS
    )


def _sc_degree(dst_tiles, zeros_col, n_pad, n_chunks):
    rpt = n_pad // NS

    @functools.partial(
        pl.kernel,
        mesh=_mesh(),
        compiler_params=pltpu.CompilerParams(use_tc_tiling_on_sc=False),
        out_type=jax.ShapeDtypeStruct((NC, n_pad), jnp.float32),
        scratch_types=[
            pltpu.VMEM((n_chunks, K), jnp.int32),
            pltpu.VMEM((K,), jnp.float32),
            pltpu.VMEM_SHARED((n_pad,), jnp.float32),
            pltpu.SemaphoreType.DMA,
        ],
    )
    def deg_kernel(dst_hbm, z_hbm, out_hbm, idx_d, half_v, acc, ssem):
        c = lax.axis_index("c")
        s = lax.axis_index("s")
        pltpu.sync_copy(dst_hbm.at[s], idx_d)
        for i in range(K // 16):
            half_v[pl.ds(16 * i, 16)] = jnp.full((16,), 0.5, jnp.float32)
        pltpu.sync_copy(z_hbm.at[pl.ds(s * rpt, rpt)], acc.at[pl.ds(s * rpt, rpt)])
        plsc.subcore_barrier()

        def body(g, carry):
            pltpu.async_copy(half_v, acc.at[idx_d.at[g]], ssem, add=True)

            @pl.when(g >= 4)
            def _drain():
                pltpu.make_async_copy(half_v, acc.at[idx_d.at[g - 4]], ssem).wait()

            return carry

        lax.fori_loop(0, n_chunks, body, 0)
        for j in range(n_chunks - 4, n_chunks):
            pltpu.make_async_copy(half_v, acc.at[idx_d.at[j]], ssem).wait()
        plsc.subcore_barrier()
        pltpu.sync_copy(acc.at[pl.ds(s * rpt, rpt)], out_hbm.at[c, pl.ds(s * rpt, rpt)])

    return deg_kernel(dst_tiles, zeros_col)


def _sc_aggregate(h_split, src_tiles, dst_tiles, zeros_mat, n_pad, n_chunks):
    d2 = h_split.shape[2]
    rpt = n_pad // NS
    nbuf = 8 if d2 <= 32 else 6
    ga = nbuf - 3
    ss = 2

    @functools.partial(
        pl.kernel,
        mesh=_mesh(),
        compiler_params=pltpu.CompilerParams(use_tc_tiling_on_sc=False),
        out_type=jax.ShapeDtypeStruct((NC, n_pad, d2), jnp.float32),
        scratch_types=[
            pltpu.VMEM((n_chunks, K), jnp.int32),
            pltpu.VMEM((n_chunks, K), jnp.int32),
            pltpu.VMEM((nbuf, K, d2), jnp.float32),
            pltpu.VMEM_SHARED((n_pad, d2), jnp.float32),
            pltpu.SemaphoreType.DMA,
            pltpu.SemaphoreType.DMA,
            pltpu.SemaphoreType.DMA,
        ],
    )
    def agg_kernel(h_hbm, src_hbm, dst_hbm, z_hbm, out_hbm, idx_s, idx_d, rows, acc, gsem, ssem, isem):
        c = lax.axis_index("c")
        s = lax.axis_index("s")
        pltpu.async_copy(src_hbm.at[s], idx_s, isem)
        pltpu.async_copy(dst_hbm.at[s], idx_d, isem)
        pltpu.async_copy(
            z_hbm.at[pl.ds(s * rpt, rpt)], acc.at[pl.ds(s * rpt, rpt)], isem
        )
        pltpu.make_async_copy(src_hbm.at[s], idx_s, isem).wait()
        pltpu.make_async_copy(dst_hbm.at[s], idx_d, isem).wait()
        pltpu.make_async_copy(
            z_hbm.at[pl.ds(s * rpt, rpt)], acc.at[pl.ds(s * rpt, rpt)], isem
        ).wait()
        plsc.subcore_barrier()
        for j in range(ga):
            pltpu.async_copy(h_hbm.at[c].at[idx_s.at[j]], rows.at[j], gsem)

        def body(g, carry):
            slot = lax.rem(g, nbuf)
            pltpu.make_async_copy(h_hbm.at[c].at[idx_s.at[g]], rows.at[slot], gsem).wait()
            pltpu.async_copy(rows.at[slot], acc.at[idx_d.at[g]], ssem, add=True)

            @pl.when(g >= ss)
            def _drain_prev():
                pltpu.make_async_copy(
                    rows.at[lax.rem(g - ss, nbuf)], acc.at[idx_d.at[g - ss]], ssem
                ).wait()

            @pl.when(g + ga < n_chunks)
            def _prefetch():
                pltpu.async_copy(
                    h_hbm.at[c].at[idx_s.at[g + ga]],
                    rows.at[lax.rem(g + ga, nbuf)],
                    gsem,
                )

            return carry

        lax.fori_loop(0, n_chunks, body, 0)
        for j in range(n_chunks - ss, n_chunks):
            pltpu.make_async_copy(
                rows.at[j % nbuf], acc.at[idx_d.at[j]], ssem
            ).wait()
        plsc.subcore_barrier()
        pltpu.sync_copy(acc.at[pl.ds(s * rpt, rpt)], out_hbm.at[c, pl.ds(s * rpt, rpt)])

    return agg_kernel(h_split, src_tiles, dst_tiles, zeros_mat)


def _tc_mm_raw(x, ws, blk):
    n, din = x.shape
    d2 = ws.shape[2]

    def body(x_ref, w_ref, o_ref):
        o_ref[0] = jnp.dot(x_ref[...], w_ref[0], preferred_element_type=jnp.float32)

    return pl.pallas_call(
        body,
        grid=(NC, n // blk),
        in_specs=[
            pl.BlockSpec((blk, din), lambda t, i: (i, 0)),
            pl.BlockSpec((1, din, d2), lambda t, i: (t, 0, 0)),
        ],
        out_specs=pl.BlockSpec((1, blk, d2), lambda t, i: (t, i, 0)),
        out_shape=jax.ShapeDtypeStruct((NC, n, d2), jnp.float32),
    )(x, ws)


def _tc_scale(h_raw, d0, d1, blk):
    nc, n, d2 = h_raw.shape

    def body(h_ref, a_ref, b_ref, o_ref, s_ref):
        dis = lax.rsqrt(1.0 + a_ref[...] + b_ref[...])
        s_ref[...] = dis
        o_ref[...] = dis[None] * h_ref[...]

    return pl.pallas_call(
        body,
        grid=(n // blk,),
        in_specs=[
            pl.BlockSpec((NC, blk, d2), lambda i: (0, i, 0)),
            pl.BlockSpec((blk, 1), lambda i: (i, 0)),
            pl.BlockSpec((blk, 1), lambda i: (i, 0)),
        ],
        out_specs=[
            pl.BlockSpec((NC, blk, d2), lambda i: (0, i, 0)),
            pl.BlockSpec((blk, 1), lambda i: (i, 0)),
        ],
        out_shape=[
            jax.ShapeDtypeStruct((NC, n, d2), jnp.float32),
            jax.ShapeDtypeStruct((n, 1), jnp.float32),
        ],
    )(h_raw, d0, d1)


def _tc_mid(acc, ht, discol, b, w2s, blk):
    nc, n, d2 = ht.shape
    d = nc * d2
    do2 = w2s.shape[2]

    def body(a_ref, h_ref, s_ref, b_ref, w_ref, o_ref):
        agg = jnp.concatenate([a_ref[0] + h_ref[0], a_ref[1] + h_ref[1]], axis=-1)
        h1 = jnp.maximum(s_ref[...] * agg + b_ref[...], 0.0)
        o_ref[0] = s_ref[...] * jnp.dot(
            h1, w_ref[0], preferred_element_type=jnp.float32
        )

    return pl.pallas_call(
        body,
        grid=(NC, n // blk),
        in_specs=[
            pl.BlockSpec((NC, blk, d2), lambda t, i: (0, i, 0)),
            pl.BlockSpec((NC, blk, d2), lambda t, i: (0, i, 0)),
            pl.BlockSpec((blk, 1), lambda t, i: (i, 0)),
            pl.BlockSpec((1, d), lambda t, i: (0, 0)),
            pl.BlockSpec((1, d, do2), lambda t, i: (t, 0, 0)),
        ],
        out_specs=pl.BlockSpec((1, blk, do2), lambda t, i: (t, i, 0)),
        out_shape=jax.ShapeDtypeStruct((NC, n, do2), jnp.float32),
    )(acc, ht, discol, b, w2s)


def _tc_post(acc, ht, discol, b, blk):
    nc, n, d2 = ht.shape
    d = nc * d2

    def body(a_ref, h_ref, s_ref, b_ref, o_ref):
        agg = jnp.concatenate([a_ref[0] + h_ref[0], a_ref[1] + h_ref[1]], axis=-1)
        o_ref[...] = s_ref[...] * agg + b_ref[...]

    return pl.pallas_call(
        body,
        grid=(n // blk,),
        in_specs=[
            pl.BlockSpec((NC, blk, d2), lambda i: (0, i, 0)),
            pl.BlockSpec((NC, blk, d2), lambda i: (0, i, 0)),
            pl.BlockSpec((blk, 1), lambda i: (i, 0)),
            pl.BlockSpec((1, d), lambda i: (0, 0)),
        ],
        out_specs=pl.BlockSpec((blk, d), lambda i: (i, 0)),
        out_shape=jax.ShapeDtypeStruct((n, d), jnp.float32),
    )(acc, ht, discol, b)


def kernel(x, edge_index, W1, b1, W2, b2):
    n, din = x.shape
    e = edge_index.shape[1]

    epw = K * (-(-e // (K * NS)))
    n_chunks = epw // K
    e_pad = epw * NS
    n_pad = 128 * NS * (-(-(n + 1) // (128 * NS)))

    ei = edge_index.astype(jnp.int32)
    pad = e_pad - e
    src_t = jnp.concatenate([ei[0], jnp.zeros((pad,), jnp.int32)]).reshape(
        NS, n_chunks, K
    )
    dst_t = jnp.concatenate([ei[1], jnp.full((pad,), n, jnp.int32)]).reshape(
        NS, n_chunks, K
    )
    z_col = jnp.zeros((n_pad,), jnp.float32)
    z_hid = jnp.zeros((n_pad, W1.shape[1] // NC), jnp.float32)
    z_out = jnp.zeros((n_pad, W2.shape[1] // NC), jnp.float32)

    blk = 2000 if n % 2000 == 0 else n

    h2 = W1.shape[1] // NC
    o2 = W2.shape[1] // NC
    w1s = jnp.stack([W1[:, :h2], W1[:, h2:]])
    w2s = jnp.stack([W2[:, :o2], W2[:, o2:]])

    h1_raw = _tc_mm_raw(x, w1s, blk)
    deg = _sc_degree(dst_t, z_col, n_pad, n_chunks)
    ht1, discol = _tc_scale(
        h1_raw, deg[0, :n, None], deg[1, :n, None], blk
    )
    acc1 = _sc_aggregate(ht1, src_t, dst_t, z_hid, n_pad, n_chunks)
    ht2 = _tc_mid(acc1[:, :n], ht1, discol, b1[None, :], w2s, blk)
    acc2 = _sc_aggregate(ht2, src_t, dst_t, z_out, n_pad, n_chunks)
    return _tc_post(acc2[:, :n], ht2, discol, b2[None, :], blk)

# --- scband reference (transcript-rebuilt; emitter-appended) ---
"""Pipeline reference for scband-encoder-6107443495308 (READ-ONLY COPY).

The authoritative reference and input builder live on the scoring server;
editing this copy changes nothing except your own understanding.
"""

import jax, jax.numpy as jnp
import numpy as np

N_NODES = 10000
N_EDGES = 320000
IN_CH = 128
HID = 64
OUT_CH = 128


def gcn_conv(x, edge_index, W, b):
    # Faithful GCNConv: add self-loops, symmetric normalization, linear, scatter-add, bias
    N = x.shape[0]
    loop = jnp.arange(N, dtype=edge_index.dtype)
    src = jnp.concatenate([edge_index[0], loop])
    dst = jnp.concatenate([edge_index[1], loop])
    deg = jnp.zeros((N,), dtype=x.dtype).at[dst].add(1.0)
    deg_inv_sqrt = jnp.where(deg > 0, deg ** -0.5, 0.0)
    norm = deg_inv_sqrt[src] * deg_inv_sqrt[dst]
    h = x @ W
    msg = h[src] * norm[:, None]
    out = jnp.zeros((N, W.shape[1]), dtype=x.dtype).at[dst].add(msg)
    return out + b


def setup_inputs(seed: int = 0) -> dict:
    key = jax.random.key(seed)
    k1, k2, k3, k4, k5, k6 = jax.random.split(key, 6)
    x = jax.random.normal(k1, (N_NODES, IN_CH), dtype=jnp.float32)
    edge_index = jax.random.randint(k2, (2, N_EDGES), 0, N_NODES, dtype=jnp.int64)
    # GCNConv weights (glorot-like init)
    W1 = jax.random.normal(k3, (IN_CH, HID), dtype=jnp.float32) * (1.0 / np.sqrt(IN_CH))
    b1 = jnp.zeros((HID,), dtype=jnp.float32)
    W2 = jax.random.normal(k4, (HID, OUT_CH), dtype=jnp.float32) * (1.0 / np.sqrt(HID))
    b2 = jnp.zeros((OUT_CH,), dtype=jnp.float32)
    return {"x": x, "edge_index": edge_index, "W1": W1, "b1": b1, "W2": W2, "b2": b2}


def reference(x, edge_index, W1, b1, W2, b2):
    h = jax.nn.relu(gcn_conv(x, edge_index, W1, b1))
    return gcn_conv(h, edge_index, W2, b2)

if __name__ == "__main__":
    import jax
    _d = setup_inputs()
    print(jax.jit(kernel)(*tuple(_d.values())))

</pallas_src>

<mosaic_0001>
#map = affine_map<(d0, d1) -> (0, 0, 0)>
#map1 = affine_map<(d0, d1) -> (0, 0)>
module attributes {stable_mosaic.version = 14 : i64} {
  func.func @agg_kernel(%arg0: i32, %arg1: i32, %arg2: memref<2x10000x32xf32, #tpu.memory_space<hbm>>, %arg3: memref<16x157x128xi32, #tpu.memory_space<hbm>>, %arg4: memref<16x157x128xi32, #tpu.memory_space<hbm>>, %arg5: memref<10240x32xf32, #tpu.memory_space<hbm>>, %arg6: memref<2x10240x32xf32, #tpu.memory_space<hbm>>, %arg7: memref<157x128xi32, #tpu.memory_space<vmem>>, %arg8: memref<157x128xi32, #tpu.memory_space<vmem>>, %arg9: memref<8x128x32xf32, #tpu.memory_space<vmem>>, %arg10: memref<10240x32xf32, #tpu.memory_space<vmem_shared>>, %arg11: memref<!tpu.dma_semaphore, #tpu.memory_space<semaphore_mem>>, %arg12: memref<!tpu.dma_semaphore, #tpu.memory_space<semaphore_mem>>, %arg13: memref<!tpu.dma_semaphore, #tpu.memory_space<semaphore_mem>>) attributes {dimension_semantics = [#tpu.dimension_semantics<core_parallel>, #tpu.dimension_semantics<subcore_parallel>], iteration_bounds = array<i64: 2, 16>, scalar_prefetch = 0 : i64, scratch_operands = 7 : i64, tpu.core_type = #tpu.core_type<sc_vector_subcore>, window_params = [{transform_indices = #map}, {transform_indices = #map}, {transform_indices = #map}, {transform_indices = #map1}, {transform_indices = #map}]} {
    %dma_start3A = arith.constant 0 : i32
    %dma_start3A_0 = arith.constant 0 : i32
    %dma_start3A_1 = tpu.memref_slice %arg3[%arg1, %dma_start3A, %dma_start3A_0] : memref<16x157x128xi32, #tpu.memory_space<hbm>> -> memref<1x157x128xi32, #tpu.memory_space<hbm>>
    %dma_start3A_2 = tpu.memref_squeeze %dma_start3A_1 : memref<1x157x128xi32, #tpu.memory_space<hbm>> -> memref<157x128xi32, #tpu.memory_space<hbm>>
    %dma_start3A_3 = arith.constant 0 : i32
    %dma_start3A_4 = arith.constant 0 : i32
    %dma_start3A_5 = tpu.memref_slice %arg3[%arg1, %dma_start3A_3, %dma_start3A_4] : memref<16x157x128xi32, #tpu.memory_space<hbm>> -> memref<1x157x128xi32, #tpu.memory_space<hbm>>
    %dma_start3A_6 = tpu.memref_squeeze %dma_start3A_5 : memref<1x157x128xi32, #tpu.memory_space<hbm>> -> memref<157x128xi32, #tpu.memory_space<hbm>>
    tpu.enqueue_dma source(%dma_start3A_6 : memref<157x128xi32, #tpu.memory_space<hbm>>) target(%arg7 : memref<157x128xi32, #tpu.memory_space<vmem>>) target_semaphore(%arg13 : memref<!tpu.dma_semaphore, #tpu.memory_space<semaphore_mem>>)
    %dma_start3A_7 = arith.constant 0 : i32
    %dma_start3A_8 = arith.constant 0 : i32
    %dma_start3A_9 = tpu.memref_slice %arg4[%arg1, %dma_start3A_7, %dma_start3A_8] : memref<16x157x128xi32, #tpu.memory_space<hbm>> -> memref<1x157x128xi32, #tpu.memory_space<hbm>>
    %dma_start3A_10 = tpu.memref_squeeze %dma_start3A_9 : memref<1x157x128xi32, #tpu.memory_space<hbm>> -> memref<157x128xi32, #tpu.memory_space<hbm>>
    %dma_start3A_11 = arith.constant 0 : i32
    %dma_start3A_12 = arith.constant 0 : i32
    %dma_start3A_13 = tpu.memref_slice %arg4[%arg1, %dma_start3A_11, %dma_start3A_12] : memref<16x157x128xi32, #tpu.memory_space<hbm>> -> memref<1x157x128xi32, #tpu.memory_space<hbm>>
    %dma_start3A_14 = tpu.memref_squeeze %dma_start3A_13 : memref<1x157x128xi32, #tpu.memory_space<hbm>> -> memref<157x128xi32, #tpu.memory_space<hbm>>
    tpu.enqueue_dma source(%dma_start3A_14 : memref<157x128xi32, #tpu.memory_space<hbm>>) target(%arg8 : memref<157x128xi32, #tpu.memory_space<vmem>>) target_semaphore(%arg13 : memref<!tpu.dma_semaphore, #tpu.memory_space<semaphore_mem>>)
    %mul3A = arith.constant 640 : i32
    %mul3A_15 = arith.muli %arg1, %mul3A : i32
    %mul3A_16 = arith.constant 640 : i32
    %mul3A_17 = arith.muli %arg1, %mul3A_16 : i32
    %dma_start3A_18 = arith.constant 0 : i32
    %dma_start3A_19 = tpu.memref_slice %arg10[%mul3A_17, %dma_start3A_18] : memref<10240x32xf32, #tpu.memory_space<vmem_shared>> -> memref<640x32xf32, #tpu.memory_space<vmem_shared>>
    %dma_start3A_20 = arith.constant 0 : i32
    %dma_start3A_21 = tpu.memref_slice %arg5[%mul3A_15, %dma_start3A_20] : memref<10240x32xf32, #tpu.memory_space<hbm>> -> memref<640x32xf32, #tpu.memory_space<hbm>>
    tpu.enqueue_dma source(%dma_start3A_21 : memref<640x32xf32, #tpu.memory_space<hbm>>) target(%dma_start3A_19 : memref<640x32xf32, #tpu.memory_space<vmem_shared>>) target_semaphore(%arg13 : memref<!tpu.dma_semaphore, #tpu.memory_space<semaphore_mem>>)
    %dma_wait3A = arith.constant 0 : i32
    %dma_wait3A_22 = arith.constant 0 : i32
    %dma_wait3A_23 = tpu.memref_slice %arg3[%arg1, %dma_wait3A, %dma_wait3A_22] : memref<16x157x128xi32, #tpu.memory_space<hbm>> -> memref<1x157x128xi32, #tpu.memory_space<hbm>>
    %dma_wait3A_24 = tpu.memref_squeeze %dma_wait3A_23 : memref<1x157x128xi32, #tpu.memory_space<hbm>> -> memref<157x128xi32, #tpu.memory_space<hbm>>
    %dma_wait3A_25 = arith.constant 0 : i32
    %dma_wait3A_26 = arith.constant 0 : i32
    %dma_wait3A_27 = tpu.memref_slice %arg3[%arg1, %dma_wait3A_25, %dma_wait3A_26] : memref<16x157x128xi32, #tpu.memory_space<hbm>> -> memref<1x157x128xi32, #tpu.memory_space<hbm>>
    %dma_wait3A_28 = tpu.memref_squeeze %dma_wait3A_27 : memref<1x157x128xi32, #tpu.memory_space<hbm>> -> memref<157x128xi32, #tpu.memory_space<hbm>>
    tpu.wait_dma2 semaphore(%arg13 : memref<!tpu.dma_semaphore, #tpu.memory_space<semaphore_mem>>) src(%dma_wait3A_28 : memref<157x128xi32, #tpu.memory_space<hbm>>) dst(%arg7 : memref<157x128xi32, #tpu.memory_space<vmem>>)
    %dma_wait3A_29 = arith.constant 0 : i32
    %dma_wait3A_30 = arith.constant 0 : i32
    %dma_wait3A_31 = tpu.memref_slice %arg4[%arg1, %dma_wait3A_29, %dma_wait3A_30] : memref<16x157x128xi32, #tpu.memory_space<hbm>> -> memref<1x157x128xi32, #tpu.memory_space<hbm>>
    %dma_wait3A_32 = tpu.memref_squeeze %dma_wait3A_31 : memref<1x157x128xi32, #tpu.memory_space<hbm>> -> memref<157x128xi32, #tpu.memory_space<hbm>>
    %dma_wait3A_33 = arith.constant 0 : i32
    %dma_wait3A_34 = arith.constant 0 : i32
    %dma_wait3A_35 = tpu.memref_slice %arg4[%arg1, %dma_wait3A_33, %dma_wait3A_34] : memref<16x157x128xi32, #tpu.memory_space<hbm>> -> memref<1x157x128xi32, #tpu.memory_space<hbm>>
    %dma_wait3A_36 = tpu.memref_squeeze %dma_wait3A_35 : memref<1x157x128xi32, #tpu.memory_space<hbm>> -> memref<157x128xi32, #tpu.memory_space<hbm>>
    tpu.wait_dma2 semaphore(%arg13 : memref<!tpu.dma_semaphore, #tpu.memory_space<semaphore_mem>>) src(%dma_wait3A_36 : memref<157x128xi32, #tpu.memory_space<hbm>>) dst(%arg8 : memref<157x128xi32, #tpu.memory_space<vmem>>)
    %mul3A_37 = arith.constant 640 : i32
    %mul3A_38 = arith.muli %arg1, %mul3A_37 : i32
    %mul3A_39 = arith.constant 640 : i32
    %mul3A_40 = arith.muli %arg1, %mul3A_39 : i32
    %dma_wait3A_41 = arith.constant 0 : i32
    %dma_wait3A_42 = tpu.memref_slice %arg10[%mul3A_40, %dma_wait3A_41] : memref<10240x32xf32, #tpu.memory_space<vmem_shared>> -> memref<640x32xf32, #tpu.memory_space<vmem_shared>>
    %dma_wait3A_43 = arith.constant 0 : i32
    %dma_wait3A_44 = tpu.memref_slice %arg5[%mul3A_38, %dma_wait3A_43] : memref<10240x32xf32, #tpu.memory_space<hbm>> -> memref<640x32xf32, #tpu.memory_space<hbm>>
    tpu.wait_dma2 semaphore(%arg13 : memref<!tpu.dma_semaphore, #tpu.memory_space<semaphore_mem>>) src(%dma_wait3A_44 : memref<640x32xf32, #tpu.memory_space<hbm>>) dst(%dma_wait3A_42 : memref<640x32xf32, #tpu.memory_space<vmem_shared>>)
    %barrier3A = arith.constant 0 : index
    tpu.barrier barrier_id(%barrier3A)
    %dma_start3A_45 = arith.constant 0 : i32
    %dma_start3A_46 = arith.constant 0 : i32
    %dma_start3A_47 = arith.constant 0 : i32
    %dma_start3A_48 = arith.constant 0 : i32
    %dma_start3A_49 = tpu.memref_slice %arg9[%dma_start3A_46, %dma_start3A_47, %dma_start3A_48] : memref<8x128x32xf32, #tpu.memory_space<vmem>> -> memref<1x128x32xf32, #tpu.memory_space<vmem>>
    %dma_start3A_50 = tpu.memref_squeeze %dma_start3A_49 : memref<1x128x32xf32, #tpu.memory_space<vmem>> -> memref<128x32xf32, #tpu.memory_space<vmem>>
    %dma_start3A_51 = arith.constant 0 : i32
    %dma_start3A_52 = tpu.memref_slice %arg7[%dma_start3A_45, %dma_start3A_51] : memref<157x128xi32, #tpu.memory_space<vmem>> -> memref<1x128xi32, #tpu.memory_space<vmem>>
    %dma_start3A_53 = tpu.memref_squeeze %dma_start3A_52 : memref<1x128xi32, #tpu.memory_space<vmem>> -> memref<128xi32, #tpu.memory_space<vmem>>
    %dma_start3A_54 = arith.constant 0 : i32
    %dma_start3A_55 = arith.constant 0 : i32
    %dma_start3A_56 = tpu.memref_slice %arg2[%arg0, %dma_start3A_54, %dma_start3A_55] : memref<2x10000x32xf32, #tpu.memory_space<hbm>> -> memref<1x10000x32xf32, #tpu.memory_space<hbm>>
    %dma_start3A_57 = tpu.memref_squeeze %dma_start3A_56 : memref<1x10000x32xf32, #tpu.memory_space<hbm>> -> memref<10000x32xf32, #tpu.memory_space<hbm>>
    %dma_start3A_58 = arith.constant 0 : i32
    %dma_start3A_59 = arith.constant 0 : i32
    %dma_start3A_60 = tpu.memref_slice %dma_start3A_57[%dma_start3A_58, %dma_start3A_59] : memref<10000x32xf32, #tpu.memory_space<hbm>> -> memref<10000x32xf32, #tpu.memory_space<hbm>>
    tpu.enqueue_indirect_dma source(%dma_start3A_60 : memref<10000x32xf32, #tpu.memory_space<hbm>>) target(%dma_start3A_50 : memref<128x32xf32, #tpu.memory_space<vmem>>) offsets(%dma_start3A_53 : memref<128xi32, #tpu.memory_space<vmem>>) semaphore(%arg11 : memref<!tpu.dma_semaphore, #tpu.memory_space<semaphore_mem>>)
    %dma_start3A_61 = arith.constant 1 : i32
    %dma_start3A_62 = arith.constant 1 : i32
    %dma_start3A_63 = arith.constant 0 : i32
    %dma_start3A_64 = arith.constant 0 : i32
    %dma_start3A_65 = tpu.memref_slice %arg9[%dma_start3A_62, %dma_start3A_63, %dma_start3A_64] : memref<8x128x32xf32, #tpu.memory_space<vmem>> -> memref<1x128x32xf32, #tpu.memory_space<vmem>>
    %dma_start3A_66 = tpu.memref_squeeze %dma_start3A_65 : memref<1x128x32xf32, #tpu.memory_space<vmem>> -> memref<128x32xf32, #tpu.memory_space<vmem>>
    %dma_start3A_67 = arith.constant 0 : i32
    %dma_start3A_68 = tpu.memref_slice %arg7[%dma_start3A_61, %dma_start3A_67] : memref<157x128xi32, #tpu.memory_space<vmem>> -> memref<1x128xi32, #tpu.memory_space<vmem>>
    %dma_start3A_69 = tpu.memref_squeeze %dma_start3A_68 : memref<1x128xi32, #tpu.memory_space<vmem>> -> memref<128xi32, #tpu.memory_space<vmem>>
    %dma_start3A_70 = arith.constant 0 : i32
    %dma_start3A_71 = arith.constant 0 : i32
    %dma_start3A_72 = tpu.memref_slice %arg2[%arg0, %dma_start3A_70, %dma_start3A_71] : memref<2x10000x32xf32, #tpu.memory_space<hbm>> -> memref<1x10000x32xf32, #tpu.memory_space<hbm>>
    %dma_start3A_73 = tpu.memref_squeeze %dma_start3A_72 : memref<1x10000x32xf32, #tpu.memory_space<hbm>> -> memref<10000x32xf32, #tpu.memory_space<hbm>>
    %dma_start3A_74 = arith.constant 0 : i32
    %dma_start3A_75 = arith.constant 0 : i32
    %dma_start3A_76 = tpu.memref_slice %dma_start3A_73[%dma_start3A_74, %dma_start3A_75] : memref<10000x32xf32, #tpu.memory_space<hbm>> -> memref<10000x32xf32, #tpu.memory_space<hbm>>
    tpu.enqueue_indirect_dma source(%dma_start3A_76 : memref<10000x32xf32, #tpu.memory_space<hbm>>) target(%dma_start3A_66 : memref<128x32xf32, #tpu.memory_space<vmem>>) offsets(%dma_start3A_69 : memref<128xi32, #tpu.memory_space<vmem>>) semaphore(%arg11 : memref<!tpu.dma_semaphore, #tpu.memory_space<semaphore_mem>>)
    %dma_start3A_77 = arith.constant 2 : i32
    %dma_start3A_78 = arith.constant 2 : i32
    %dma_start3A_79 = arith.constant 0 : i32
    %dma_start3A_80 = arith.constant 0 : i32
    %dma_start3A_81 = tpu.memref_slice %arg9[%dma_start3A_78, %dma_start3A_79, %dma_start3A_80] : memref<8x128x32xf32, #tpu.memory_space<vmem>> -> memref<1x128x32xf32, #tpu.memory_space<vmem>>
    %dma_start3A_82 = tpu.memref_squeeze %dma_start3A_81 : memref<1x128x32xf32, #tpu.memory_space<vmem>> -> memref<128x32xf32, #tpu.memory_space<vmem>>
    %dma_start3A_83 = arith.constant 0 : i32
    %dma_start3A_84 = tpu.memref_slice %arg7[%dma_start3A_77, %dma_start3A_83] : memref<157x128xi32, #tpu.memory_space<vmem>> -> memref<1x128xi32, #tpu.memory_space<vmem>>
    %dma_start3A_85 = tpu.memref_squeeze %dma_start3A_84 : memref<1x128xi32, #tpu.memory_space<vmem>> -> memref<128xi32, #tpu.memory_space<vmem>>
    %dma_start3A_86 = arith.constant 0 : i32
    %dma_start3A_87 = arith.constant 0 : i32
    %dma_start3A_88 = tpu.memref_slice %arg2[%arg0, %dma_start3A_86, %dma_start3A_87] : memref<2x10000x32xf32, #tpu.memory_space<hbm>> -> memref<1x10000x32xf32, #tpu.memory_space<hbm>>
    %dma_start3A_89 = tpu.memref_squeeze %dma_start3A_88 : memref<1x10000x32xf32, #tpu.memory_space<hbm>> -> memref<10000x32xf32, #tpu.memory_space<hbm>>
    %dma_start3A_90 = arith.constant 0 : i32
    %dma_start3A_91 = arith.constant 0 : i32
    %dma_start3A_92 = tpu.memref_slice %dma_start3A_89[%dma_start3A_90, %dma_start3A_91] : memref<10000x32xf32, #tpu.memory_space<hbm>> -> memref<10000x32xf32, #tpu.memory_space<hbm>>
    tpu.enqueue_indirect_dma source(%dma_start3A_92 : memref<10000x32xf32, #tpu.memory_space<hbm>>) target(%dma_start3A_82 : memref<128x32xf32, #tpu.memory_space<vmem>>) offsets(%dma_start3A_85 : memref<128xi32, #tpu.memory_space<vmem>>) semaphore(%arg11 : memref<!tpu.dma_semaphore, #tpu.memory_space<semaphore_mem>>)
    %dma_start3A_93 = arith.constant 3 : i32
    %dma_start3A_94 = arith.constant 3 : i32
    %dma_start3A_95 = arith.constant 0 : i32
    %dma_start3A_96 = arith.constant 0 : i32
    %dma_start3A_97 = tpu.memref_slice %arg9[%dma_start3A_94, %dma_start3A_95, %dma_start3A_96] : memref<8x128x32xf32, #tpu.memory_space<vmem>> -> memref<1x128x32xf32, #tpu.memory_space<vmem>>
    %dma_start3A_98 = tpu.memref_squeeze %dma_start3A_97 : memref<1x128x32xf32, #tpu.memory_space<vmem>> -> memref<128x32xf32, #tpu.memory_space<vmem>>
    %dma_start3A_99 = arith.constant 0 : i32
    %dma_start3A_100 = tpu.memref_slice %arg7[%dma_start3A_93, %dma_start3A_99] : memref<157x128xi32, #tpu.memory_space<vmem>> -> memref<1x128xi32, #tpu.memory_space<vmem>>
    %dma_start3A_101 = tpu.memref_squeeze %dma_start3A_100 : memref<1x128xi32, #tpu.memory_space<vmem>> -> memref<128xi32, #tpu.memory_space<vmem>>
    %dma_start3A_102 = arith.constant 0 : i32
    %dma_start3A_103 = arith.constant 0 : i32
    %dma_start3A_104 = tpu.memref_slice %arg2[%arg0, %dma_start3A_102, %dma_start3A_103] : memref<2x10000x32xf32, #tpu.memory_space<hbm>> -> memref<1x10000x32xf32, #tpu.memory_space<hbm>>
    %dma_start3A_105 = tpu.memref_squeeze %dma_start3A_104 : memref<1x10000x32xf32, #tpu.memory_space<hbm>> -> memref<10000x32xf32, #tpu.memory_space<hbm>>
    %dma_start3A_106 = arith.constant 0 : i32
    %dma_start3A_107 = arith.constant 0 : i32
    %dma_start3A_108 = tpu.memref_slice %dma_start3A_105[%dma_start3A_106, %dma_start3A_107] : memref<10000x32xf32, #tpu.memory_space<hbm>> -> memref<10000x32xf32, #tpu.memory_space<hbm>>
    tpu.enqueue_indirect_dma source(%dma_start3A_108 : memref<10000x32xf32, #tpu.memory_space<hbm>>) target(%dma_start3A_98 : memref<128x32xf32, #tpu.memory_space<vmem>>) offsets(%dma_start3A_101 : memref<128xi32, #tpu.memory_space<vmem>>) semaphore(%arg11 : memref<!tpu.dma_semaphore, #tpu.memory_space<semaphore_mem>>)
    %dma_start3A_109 = arith.constant 4 : i32
    %dma_start3A_110 = arith.constant 4 : i32
    %dma_start3A_111 = arith.constant 0 : i32
    %dma_start3A_112 = arith.constant 0 : i32
    %dma_start3A_113 = tpu.memref_slice %arg9[%dma_start3A_110, %dma_start3A_111, %dma_start3A_112] : memref<8x128x32xf32, #tpu.memory_space<vmem>> -> memref<1x128x32xf32, #tpu.memory_space<vmem>>
    %dma_start3A_114 = tpu.memref_squeeze %dma_start3A_113 : memref<1x128x32xf32, #tpu.memory_space<vmem>> -> memref<128x32xf32, #tpu.memory_space<vmem>>
    %dma_start3A_115 = arith.constant 0 : i32
    %dma_start3A_116 = tpu.memref_slice %arg7[%dma_start3A_109, %dma_start3A_115] : memref<157x128xi32, #tpu.memory_space<vmem>> -> memref<1x128xi32, #tpu.memory_space<vmem>>
    %dma_start3A_117 = tpu.memref_squeeze %dma_start3A_116 : memref<1x128xi32, #tpu.memory_space<vmem>> -> memref<128xi32, #tpu.memory_space<vmem>>
    %dma_start3A_118 = arith.constant 0 : i32
    %dma_start3A_119 = arith.constant 0 : i32
    %dma_start3A_120 = tpu.memref_slice %arg2[%arg0, %dma_start3A_118, %dma_start3A_119] : memref<2x10000x32xf32, #tpu.memory_space<hbm>> -> memref<1x10000x32xf32, #tpu.memory_space<hbm>>
    %dma_start3A_121 = tpu.memref_squeeze %dma_start3A_120 : memref<1x10000x32xf32, #tpu.memory_space<hbm>> -> memref<10000x32xf32, #tpu.memory_space<hbm>>
    %dma_start3A_122 = arith.constant 0 : i32
    %dma_start3A_123 = arith.constant 0 : i32
    %dma_start3A_124 = tpu.memref_slice %dma_start3A_121[%dma_start3A_122, %dma_start3A_123] : memref<10000x32xf32, #tpu.memory_space<hbm>> -> memref<10000x32xf32, #tpu.memory_space<hbm>>
    tpu.enqueue_indirect_dma source(%dma_start3A_124 : memref<10000x32xf32, #tpu.memory_space<hbm>>) target(%dma_start3A_114 : memref<128x32xf32, #tpu.memory_space<vmem>>) offsets(%dma_start3A_117 : memref<128xi32, #tpu.memory_space<vmem>>) semaphore(%arg11 : memref<!tpu.dma_semaphore, #tpu.memory_space<semaphore_mem>>)
    %scan3A = arith.constant 0 : i32
    %scan3A_125 = arith.constant 0 : i32
    %scan3A_126 = arith.constant 157 : i32
    %scan3A_127 = arith.addi %scan3A_125, %scan3A_126 : i32
    %scan3A_128 = arith.constant 1 : i32
    scf.for %scan3A_159 = %scan3A_125 to %scan3A_127 step %scan3A_128  : i32 {
      %rem3A = arith.constant 8 : i32
      %rem3A_160 = arith.remsi %scan3A_159, %rem3A : i32
      %dma_wait3A_161 = arith.constant 0 : i32
      %dma_wait3A_162 = arith.constant 0 : i32
      %dma_wait3A_163 = tpu.memref_slice %arg9[%rem3A_160, %dma_wait3A_161, %dma_wait3A_162] : memref<8x128x32xf32, #tpu.memory_space<vmem>> -> memref<1x128x32xf32, #tpu.memory_space<vmem>>
      %dma_wait3A_164 = tpu.memref_squeeze %dma_wait3A_163 : memref<1x128x32xf32, #tpu.memory_space<vmem>> -> memref<128x32xf32, #tpu.memory_space<vmem>>
      %dma_wait3A_165 = arith.constant 0 : i32
      %dma_wait3A_166 = tpu.memref_slice %arg7[%scan3A_159, %dma_wait3A_165] : memref<157x128xi32, #tpu.memory_space<vmem>> -> memref<1x128xi32, #tpu.memory_space<vmem>>
      %dma_wait3A_167 = tpu.memref_squeeze %dma_wait3A_166 : memref<1x128xi32, #tpu.memory_space<vmem>> -> memref<128xi32, #tpu.memory_space<vmem>>
      %dma_wait3A_168 = arith.constant 0 : i32
      %dma_wait3A_169 = arith.constant 0 : i32
      %dma_wait3A_170 = tpu.memref_slice %arg2[%arg0, %dma_wait3A_168, %dma_wait3A_169] : memref<2x10000x32xf32, #tpu.memory_space<hbm>> -> memref<1x10000x32xf32, #tpu.memory_space<hbm>>
      %dma_wait3A_171 = tpu.memref_squeeze %dma_wait3A_170 : memref<1x10000x32xf32, #tpu.memory_space<hbm>> -> memref<10000x32xf32, #tpu.memory_space<hbm>>
      %dma_wait3A_172 = arith.constant 0 : i32
      %dma_wait3A_173 = arith.constant 0 : i32
      %dma_wait3A_174 = tpu.memref_slice %dma_wait3A_171[%dma_wait3A_172, %dma_wait3A_173] : memref<10000x32xf32, #tpu.memory_space<hbm>> -> memref<10000x32xf32, #tpu.memory_space<hbm>>
      tpu.wait_indirect_dma semaphore(%arg11 : memref<!tpu.dma_semaphore, #tpu.memory_space<semaphore_mem>>) src(%dma_wait3A_174 : memref<10000x32xf32, #tpu.memory_space<hbm>>) dst(%dma_wait3A_164 : memref<128x32xf32, #tpu.memory_space<vmem>>)
      %dma_start3A_175 = arith.constant 0 : i32
      %dma_start3A_176 = arith.constant 0 : i32
      %dma_start3A_177 = tpu.memref_slice %arg9[%rem3A_160, %dma_start3A_175, %dma_start3A_176] : memref<8x128x32xf32, #tpu.memory_space<vmem>> -> memref<1x128x32xf32, #tpu.memory_space<vmem>>
      %dma_start3A_178 = tpu.memref_squeeze %dma_start3A_177 : memref<1x128x32xf32, #tpu.memory_space<vmem>> -> memref<128x32xf32, #tpu.memory_space<vmem>>
      %dma_start3A_179 = arith.constant 0 : i32
      %dma_start3A_180 = tpu.memref_slice %arg8[%scan3A_159, %dma_start3A_179] : memref<157x128xi32, #tpu.memory_space<vmem>> -> memref<1x128xi32, #tpu.memory_space<vmem>>
      %dma_start3A_181 = tpu.memref_squeeze %dma_start3A_180 : memref<1x128xi32, #tpu.memory_space<vmem>> -> memref<128xi32, #tpu.memory_space<vmem>>
      %dma_start3A_182 = arith.constant 0 : i32
      %dma_start3A_183 = arith.constant 0 : i32
      %dma_start3A_184 = tpu.memref_slice %arg10[%dma_start3A_182, %dma_start3A_183] : memref<10240x32xf32, #tpu.memory_space<vmem_shared>> -> memref<10240x32xf32, #tpu.memory_space<vmem_shared>>
      tpu.enqueue_indirect_dma source(%dma_start3A_178 : memref<128x32xf32, #tpu.memory_space<vmem>>) target(%dma_start3A_184 : memref<10240x32xf32, #tpu.memory_space<vmem_shared>>) offsets(%dma_start3A_181 : memref<128xi32, #tpu.memory_space<vmem>>) semaphore(%arg12 : memref<!tpu.dma_semaphore, #tpu.memory_space<semaphore_mem>>) {add = true}
      %ge3A = arith.constant 2 : i32
      %ge3A_185 = arith.cmpi sge, %scan3A_159, %ge3A : i32
      %convert_element_type3A = arith.extui %ge3A_185 : i1 to i32
      %cond3A = arith.constant 0 : i32
      %cond3A_186 = arith.cmpi ne, %convert_element_type3A, %cond3A : i32
      scf.if %cond3A_186 {
        %sub3A = arith.constant 2 : i32
        %sub3A_192 = arith.subi %scan3A_159, %sub3A : i32
        %rem3A_193 = arith.constant 8 : i32
        %rem3A_194 = arith.remsi %sub3A_192, %rem3A_193 : i32
        %sub3A_195 = arith.constant 2 : i32
        %sub3A_196 = arith.subi %scan3A_159, %sub3A_195 : i32
        %dma_wait3A_197 = arith.constant 0 : i32
        %dma_wait3A_198 = arith.constant 0 : i32
        %dma_wait3A_199 = tpu.memref_slice %arg9[%rem3A_194, %dma_wait3A_197, %dma_wait3A_198] : memref<8x128x32xf32, #tpu.memory_space<vmem>> -> memref<1x128x32xf32, #tpu.memory_space<vmem>>
        %dma_wait3A_200 = tpu.memref_squeeze %dma_wait3A_199 : memref<1x128x32xf32, #tpu.memory_space<vmem>> -> memref<128x32xf32, #tpu.memory_space<vmem>>
        %dma_wait3A_201 = arith.constant 0 : i32
        %dma_wait3A_202 = tpu.memref_slice %arg8[%sub3A_196, %dma_wait3A_201] : memref<157x128xi32, #tpu.memory_space<vmem>> -> memref<1x128xi32, #tpu.memory_space<vmem>>
        %dma_wait3A_203 = tpu.memref_squeeze %dma_wait3A_202 : memref<1x128xi32, #tpu.memory_space<vmem>> -> memref<128xi32, #tpu.memory_space<vmem>>
        %dma_wait3A_204 = arith.constant 0 : i32
        %dma_wait3A_205 = arith.constant 0 : i32
        %dma_wait3A_206 = tpu.memref_slice %arg10[%dma_wait3A_204, %dma_wait3A_205] : memref<10240x32xf32, #tpu.memory_space<vmem_shared>> -> memref<10240x32xf32, #tpu.memory_space<vmem_shared>>
        tpu.wait_indirect_dma semaphore(%arg12 : memref<!tpu.dma_semaphore, #tpu.memory_space<semaphore_mem>>) src(%dma_wait3A_200 : memref<128x32xf32, #tpu.memory_space<vmem>>) dst(%dma_wait3A_206 : memref<10240x32xf32, #tpu.memory_space<vmem_shared>>)
      } else {
      }
      %add3A = arith.constant 5 : i32
      %add3A_187 = arith.addi %scan3A_159, %add3A : i32
      %lt3A = arith.constant 157 : i32
      %lt3A_188 = arith.cmpi slt, %add3A_187, %lt3A : i32
      %convert_element_type3A_189 = arith.extui %lt3A_188 : i1 to i32
      %cond3A_190 = arith.constant 0 : i32
      %cond3A_191 = arith.cmpi ne, %convert_element_type3A_189, %cond3A_190 : i32
      scf.if %cond3A_191 {
        %add3A_192 = arith.constant 5 : i32
        %add3A_193 = arith.addi %scan3A_159, %add3A_192 : i32
        %add3A_194 = arith.constant 5 : i32
        %add3A_195 = arith.addi %scan3A_159, %add3A_194 : i32
        %rem3A_196 = arith.constant 8 : i32
        %rem3A_197 = arith.remsi %add3A_195, %rem3A_196 : i32
        %dma_start3A_198 = arith.constant 0 : i32
        %dma_start3A_199 = arith.constant 0 : i32
        %dma_start3A_200 = tpu.memref_slice %arg9[%rem3A_197, %dma_start3A_198, %dma_start3A_199] : memref<8x128x32xf32, #tpu.memory_space<vmem>> -> memref<1x128x32xf32, #tpu.memory_space<vmem>>
        %dma_start3A_201 = tpu.memref_squeeze %dma_start3A_200 : memref<1x128x32xf32, #tpu.memory_space<vmem>> -> memref<128x32xf32, #tpu.memory_space<vmem>>
        %dma_start3A_202 = arith.constant 0 : i32
        %dma_start3A_203 = tpu.memref_slice %arg7[%add3A_193, %dma_start3A_202] : memref<157x128xi32, #tpu.memory_space<vmem>> -> memref<1x128xi32, #tpu.memory_space<vmem>>
        %dma_start3A_204 = tpu.memref_squeeze %dma_start3A_203 : memref<1x128xi32, #tpu.memory_space<vmem>> -> memref<128xi32, #tpu.memory_space<vmem>>
        %dma_start3A_205 = arith.constant 0 : i32
        %dma_start3A_206 = arith.constant 0 : i32
        %dma_start3A_207 = tpu.memref_slice %arg2[%arg0, %dma_start3A_205, %dma_start3A_206] : memref<2x10000x32xf32, #tpu.memory_space<hbm>> -> memref<1x10000x32xf32, #tpu.memory_space<hbm>>
        %dma_start3A_208 = tpu.memref_squeeze %dma_start3A_207 : memref<1x10000x32xf32, #tpu.memory_space<hbm>> -> memref<10000x32xf32, #tpu.memory_space<hbm>>
        %dma_start3A_209 = arith.constant 0 : i32
        %dma_start3A_210 = arith.constant 0 : i32
        %dma_start3A_211 = tpu.memref_slice %dma_start3A_208[%dma_start3A_209, %dma_start3A_210] : memref<10000x32xf32, #tpu.memory_space<hbm>> -> memref<10000x32xf32, #tpu.memory_space<hbm>>
        tpu.enqueue_indirect_dma source(%dma_start3A_211 : memref<10000x32xf32, #tpu.memory_space<hbm>>) target(%dma_start3A_201 : memref<128x32xf32, #tpu.memory_space<vmem>>) offsets(%dma_start3A_204 : memref<128xi32, #tpu.memory_space<vmem>>) semaphore(%arg11 : memref<!tpu.dma_semaphore, #tpu.memory_space<semaphore_mem>>)
      } else {
      }
    }
    %scan3A_129 = arith.constant 157 : i32
    %dma_wait3A_130 = arith.constant 3 : i32
    %dma_wait3A_131 = arith.constant 155 : i32
    %dma_wait3A_132 = arith.constant 0 : i32
    %dma_wait3A_133 = arith.constant 0 : i32
    %dma_wait3A_134 = tpu.memref_slice %arg9[%dma_wait3A_130, %dma_wait3A_132, %dma_wait3A_133] : memref<8x128x32xf32, #tpu.memory_space<vmem>> -> memref<1x128x32xf32, #tpu.memory_space<vmem>>
    %dma_wait3A_135 = tpu.memref_squeeze %dma_wait3A_134 : memref<1x128x32xf32, #tpu.memory_space<vmem>> -> memref<128x32xf32, #tpu.memory_space<vmem>>
    %dma_wait3A_136 = arith.constant 0 : i32
    %dma_wait3A_137 = tpu.memref_slice %arg8[%dma_wait3A_131, %dma_wait3A_136] : memref<157x128xi32, #tpu.memory_space<vmem>> -> memref<1x128xi32, #tpu.memory_space<vmem>>
    %dma_wait3A_138 = tpu.memref_squeeze %dma_wait3A_137 : memref<1x128xi32, #tpu.memory_space<vmem>> -> memref<128xi32, #tpu.memory_space<vmem>>
    %dma_wait3A_139 = arith.constant 0 : i32
    %dma_wait3A_140 = arith.constant 0 : i32
    %dma_wait3A_141 = tpu.memref_slice %arg10[%dma_wait3A_139, %dma_wait3A_140] : memref<10240x32xf32, #tpu.memory_space<vmem_shared>> -> memref<10240x32xf32, #tpu.memory_space<vmem_shared>>
    tpu.wait_indirect_dma semaphore(%arg12 : memref<!tpu.dma_semaphore, #tpu.memory_space<semaphore_mem>>) src(%dma_wait3A_135 : memref<128x32xf32, #tpu.memory_space<vmem>>) dst(%dma_wait3A_141 : memref<10240x32xf32, #tpu.memory_space<vmem_shared>>)
    %dma_wait3A_142 = arith.constant 4 : i32
    %dma_wait3A_143 = arith.constant 156 : i32
    %dma_wait3A_144 = arith.constant 0 : i32
    %dma_wait3A_145 = arith.constant 0 : i32
    %dma_wait3A_146 = tpu.memref_slice %arg9[%dma_wait3A_142, %dma_wait3A_144, %dma_wait3A_145] : memref<8x128x32xf32, #tpu.memory_space<vmem>> -> memref<1x128x32xf32, #tpu.memory_space<vmem>>
    %dma_wait3A_147 = tpu.memref_squeeze %dma_wait3A_146 : memref<1x128x32xf32, #tpu.memory_space<vmem>> -> memref<128x32xf32, #tpu.memory_space<vmem>>
    %dma_wait3A_148 = arith.constant 0 : i32
    %dma_wait3A_149 = tpu.memref_slice %arg8[%dma_wait3A_143, %dma_wait3A_148] : memref<157x128xi32, #tpu.memory_space<vmem>> -> memref<1x128xi32, #tpu.memory_space<vmem>>
    %dma_wait3A_150 = tpu.memref_squeeze %dma_wait3A_149 : memref<1x128xi32, #tpu.memory_space<vmem>> -> memref<128xi32, #tpu.memory_space<vmem>>
    %dma_wait3A_151 = arith.constant 0 : i32
    %dma_wait3A_152 = arith.constant 0 : i32
    %dma_wait3A_153 = tpu.memref_slice %arg10[%dma_wait3A_151, %dma_wait3A_152] : memref<10240x32xf32, #tpu.memory_space<vmem_shared>> -> memref<10240x32xf32, #tpu.memory_space<vmem_shared>>
    tpu.wait_indirect_dma semaphore(%arg12 : memref<!tpu.dma_semaphore, #tpu.memory_space<semaphore_mem>>) src(%dma_wait3A_147 : memref<128x32xf32, #tpu.memory_space<vmem>>) dst(%dma_wait3A_153 : memref<10240x32xf32, #tpu.memory_space<vmem_shared>>)
    %barrier3A_154 = arith.constant 0 : index
    tpu.barrier barrier_id(%barrier3A_154)
    %mul3A_155 = arith.constant 640 : i32
    %mul3A_156 = arith.muli %arg1, %mul3A_155 : i32
    %mul3A_157 = arith.constant 640 : i32
    %mul3A_158 = arith.muli %arg1, %mul3A_157 : i32
    "tpu.region"() ({
      %run_scoped3A = tpu.sem_alloc : memref<!tpu.dma_semaphore, #tpu.memory_space<semaphore_mem>>
      %dma_start3A_159 = arith.constant 0 : i32
      %dma_start3A_160 = tpu.memref_slice %arg6[%arg0, %mul3A_158, %dma_start3A_159] : memref<2x10240x32xf32, #tpu.memory_space<hbm>> -> memref<1x640x32xf32, #tpu.memory_space<hbm>>
      %dma_start3A_161 = tpu.memref_squeeze %dma_start3A_160 : memref<1x640x32xf32, #tpu.memory_space<hbm>> -> memref<640x32xf32, #tpu.memory_space<hbm>>
      %dma_start3A_162 = arith.constant 0 : i32
      %dma_start3A_163 = tpu.memref_slice %arg10[%mul3A_156, %dma_start3A_162] : memref<10240x32xf32, #tpu.memory_space<vmem_shared>> -> memref<640x32xf32, #tpu.memory_space<vmem_shared>>
      tpu.enqueue_dma source(%dma_start3A_163 : memref<640x32xf32, #tpu.memory_space<vmem_shared>>) target(%dma_start3A_161 : memref<640x32xf32, #tpu.memory_space<hbm>>) target_semaphore(%run_scoped3A : memref<!tpu.dma_semaphore, #tpu.memory_space<semaphore_mem>>)
      %dma_wait3A_164 = arith.constant 0 : i32
      %dma_wait3A_165 = tpu.memref_slice %arg6[%arg0, %mul3A_158, %dma_wait3A_164] : memref<2x10240x32xf32, #tpu.memory_space<hbm>> -> memref<1x640x32xf32, #tpu.memory_space<hbm>>
      %dma_wait3A_166 = tpu.memref_squeeze %dma_wait3A_165 : memref<1x640x32xf32, #tpu.memory_space<hbm>> -> memref<640x32xf32, #tpu.memory_space<hbm>>
      %dma_wait3A_167 = arith.constant 0 : i32
      %dma_wait3A_168 = tpu.memref_slice %arg10[%mul3A_156, %dma_wait3A_167] : memref<10240x32xf32, #tpu.memory_space<vmem_shared>> -> memref<640x32xf32, #tpu.memory_space<vmem_shared>>
      tpu.wait_dma2 semaphore(%run_scoped3A : memref<!tpu.dma_semaphore, #tpu.memory_space<semaphore_mem>>) src(%dma_wait3A_168 : memref<640x32xf32, #tpu.memory_space<vmem_shared>>) dst(%dma_wait3A_166 : memref<640x32xf32, #tpu.memory_space<hbm>>)
      tpu.yield
    }) : () -> ()
    return
  }
}

#map = affine_map<(d0, d1) -> (0, 0, 0)>
#map1 = affine_map<(d0, d1) -> (0)>
#map2 = affine_map<(d0, d1) -> (0, 0)>
module attributes {stable_mosaic.version = 14 : i64} {
  func.func @deg_kernel(%arg0: i32, %arg1: i32, %arg2: memref<16x157x128xi32, #tpu.memory_space<hbm>>, %arg3: memref<10240xf32, #tpu.memory_space<hbm>>, %arg4: memref<2x10240xf32, #tpu.memory_space<hbm>>, %arg5: memref<157x128xi32, #tpu.memory_space<vmem>>, %arg6: memref<128xf32, #tpu.memory_space<vmem>>, %arg7: memref<10240xf32, #tpu.memory_space<vmem_shared>>, %arg8: memref<!tpu.dma_semaphore, #tpu.memory_space<semaphore_mem>>) attributes {dimension_semantics = [#tpu.dimension_semantics<core_parallel>, #tpu.dimension_semantics<subcore_parallel>], iteration_bounds = array<i64: 2, 16>, scalar_prefetch = 0 : i64, scratch_operands = 4 : i64, tpu.core_type = #tpu.core_type<sc_vector_subcore>, window_params = [{transform_indices = #map}, {transform_indices = #map1}, {transform_indices = #map2}]} {
    "tpu.region"() ({
      %run_scoped3A = tpu.sem_alloc : memref<!tpu.dma_semaphore, #tpu.memory_space<semaphore_mem>>
      %dma_start3A = arith.constant 0 : i32
      %dma_start3A_82 = arith.constant 0 : i32
      %dma_start3A_83 = tpu.memref_slice %arg2[%arg1, %dma_start3A, %dma_start3A_82] : memref<16x157x128xi32, #tpu.memory_space<hbm>> -> memref<1x157x128xi32, #tpu.memory_space<hbm>>
      %dma_start3A_84 = tpu.memref_squeeze %dma_start3A_83 : memref<1x157x128xi32, #tpu.memory_space<hbm>> -> memref<157x128xi32, #tpu.memory_space<hbm>>
      %dma_start3A_85 = arith.constant 0 : i32
      %dma_start3A_86 = arith.constant 0 : i32
      %dma_start3A_87 = tpu.memref_slice %arg2[%arg1, %dma_start3A_85, %dma_start3A_86] : memref<16x157x128xi32, #tpu.memory_space<hbm>> -> memref<1x157x128xi32, #tpu.memory_space<hbm>>
      %dma_start3A_88 = tpu.memref_squeeze %dma_start3A_87 : memref<1x157x128xi32, #tpu.memory_space<hbm>> -> memref<157x128xi32, #tpu.memory_space<hbm>>
      tpu.enqueue_dma source(%dma_start3A_88 : memref<157x128xi32, #tpu.memory_space<hbm>>) target(%arg5 : memref<157x128xi32, #tpu.memory_space<vmem>>) target_semaphore(%run_scoped3A : memref<!tpu.dma_semaphore, #tpu.memory_space<semaphore_mem>>)
      %dma_wait3A_89 = arith.constant 0 : i32
      %dma_wait3A_90 = arith.constant 0 : i32
      %dma_wait3A_91 = tpu.memref_slice %arg2[%arg1, %dma_wait3A_89, %dma_wait3A_90] : memref<16x157x128xi32, #tpu.memory_space<hbm>> -> memref<1x157x128xi32, #tpu.memory_space<hbm>>
      %dma_wait3A_92 = tpu.memref_squeeze %dma_wait3A_91 : memref<1x157x128xi32, #tpu.memory_space<hbm>> -> memref<157x128xi32, #tpu.memory_space<hbm>>
      %dma_wait3A_93 = arith.constant 0 : i32
      %dma_wait3A_94 = arith.constant 0 : i32
      %dma_wait3A_95 = tpu.memref_slice %arg2[%arg1, %dma_wait3A_93, %dma_wait3A_94] : memref<16x157x128xi32, #tpu.memory_space<hbm>> -> memref<1x157x128xi32, #tpu.memory_space<hbm>>
      %dma_wait3A_96 = tpu.memref_squeeze %dma_wait3A_95 : memref<1x157x128xi32, #tpu.memory_space<hbm>> -> memref<157x128xi32, #tpu.memory_space<hbm>>
      tpu.wait_dma2 semaphore(%run_scoped3A : memref<!tpu.dma_semaphore, #tpu.memory_space<semaphore_mem>>) src(%dma_wait3A_96 : memref<157x128xi32, #tpu.memory_space<hbm>>) dst(%arg5 : memref<157x128xi32, #tpu.memory_space<vmem>>)
      tpu.yield
    }) : () -> ()
    %broadcast_in_dim3A = arith.constant 5.000000e-01 : f32
    %broadcast_in_dim3A_0 = vector.broadcast %broadcast_in_dim3A : f32 to vector<16xf32>
    %swap3A = arith.constant 0 : index
    %swap3A_1 = tpu.vector_load %arg6[%swap3A] {strides = array<i32>} : memref<128xf32, #tpu.memory_space<vmem>>, vector<16xf32>,
    %swap3A_2 = vector.shape_cast %swap3A_1 : vector<16xf32> to vector<16xf32>
    %swap3A_3 = vector.shape_cast %broadcast_in_dim3A_0 : vector<16xf32> to vector<16xf32>
    tpu.vector_store %arg6[%swap3A], %swap3A_3 {strides = array<i32>} : memref<128xf32, #tpu.memory_space<vmem>>, vector<16xf32>,
    %broadcast_in_dim3A_4 = arith.constant 5.000000e-01 : f32
    %broadcast_in_dim3A_5 = vector.broadcast %broadcast_in_dim3A_4 : f32 to vector<16xf32>
    %swap3A_6 = arith.constant 16 : index
    %swap3A_7 = tpu.vector_load %arg6[%swap3A_6] {strides = array<i32>} : memref<128xf32, #tpu.memory_space<vmem>>, vector<16xf32>,
    %swap3A_8 = vector.shape_cast %swap3A_7 : vector<16xf32> to vector<16xf32>
    %swap3A_9 = vector.shape_cast %broadcast_in_dim3A_5 : vector<16xf32> to vector<16xf32>
    tpu.vector_store %arg6[%swap3A_6], %swap3A_9 {strides = array<i32>} : memref<128xf32, #tpu.memory_space<vmem>>, vector<16xf32>,
    %broadcast_in_dim3A_10 = arith.constant 5.000000e-01 : f32
    %broadcast_in_dim3A_11 = vector.broadcast %broadcast_in_dim3A_10 : f32 to vector<16xf32>
    %swap3A_12 = arith.constant 32 : index
    %swap3A_13 = tpu.vector_load %arg6[%swap3A_12] {strides = array<i32>} : memref<128xf32, #tpu.memory_space<vmem>>, vector<16xf32>,
    %swap3A_14 = vector.shape_cast %swap3A_13 : vector<16xf32> to vector<16xf32>
    %swap3A_15 = vector.shape_cast %broadcast_in_dim3A_11 : vector<16xf32> to vector<16xf32>
    tpu.vector_store %arg6[%swap3A_12], %swap3A_15 {strides = array<i32>} : memref<128xf32, #tpu.memory_space<vmem>>, vector<16xf32>,
    %broadcast_in_dim3A_16 = arith.constant 5.000000e-01 : f32
    %broadcast_in_dim3A_17 = vector.broadcast %broadcast_in_dim3A_16 : f32 to vector<16xf32>
    %swap3A_18 = arith.constant 48 : index
    %swap3A_19 = tpu.vector_load %arg6[%swap3A_18] {strides = array<i32>} : memref<128xf32, #tpu.memory_space<vmem>>, vector<16xf32>,
    %swap3A_20 = vector.shape_cast %swap3A_19 : vector<16xf32> to vector<16xf32>
    %swap3A_21 = vector.shape_cast %broadcast_in_dim3A_17 : vector<16xf32> to vector<16xf32>
    tpu.vector_store %arg6[%swap3A_18], %swap3A_21 {strides = array<i32>} : memref<128xf32, #tpu.memory_space<vmem>>, vector<16xf32>,
    %broadcast_in_dim3A_22 = arith.constant 5.000000e-01 : f32
    %broadcast_in_dim3A_23 = vector.broadcast %broadcast_in_dim3A_22 : f32 to vector<16xf32>
    %swap3A_24 = arith.constant 64 : index
    %swap3A_25 = tpu.vector_load %arg6[%swap3A_24] {strides = array<i32>} : memref<128xf32, #tpu.memory_space<vmem>>, vector<16xf32>,
    %swap3A_26 = vector.shape_cast %swap3A_25 : vector<16xf32> to vector<16xf32>
    %swap3A_27 = vector.shape_cast %broadcast_in_dim3A_23 : vector<16xf32> to vector<16xf32>
    tpu.vector_store %arg6[%swap3A_24], %swap3A_27 {strides = array<i32>} : memref<128xf32, #tpu.memory_space<vmem>>, vector<16xf32>,
    %broadcast_in_dim3A_28 = arith.constant 5.000000e-01 : f32
    %broadcast_in_dim3A_29 = vector.broadcast %broadcast_in_dim3A_28 : f32 to vector<16xf32>
    %swap3A_30 = arith.constant 80 : index
    %swap3A_31 = tpu.vector_load %arg6[%swap3A_30] {strides = array<i32>} : memref<128xf32, #tpu.memory_space<vmem>>, vector<16xf32>,
    %swap3A_32 = vector.shape_cast %swap3A_31 : vector<16xf32> to vector<16xf32>
    %swap3A_33 = vector.shape_cast %broadcast_in_dim3A_29 : vector<16xf32> to vector<16xf32>
    tpu.vector_store %arg6[%swap3A_30], %swap3A_33 {strides = array<i32>} : memref<128xf32, #tpu.memory_space<vmem>>, vector<16xf32>,
    %broadcast_in_dim3A_34 = arith.constant 5.000000e-01 : f32
    %broadcast_in_dim3A_35 = vector.broadcast %broadcast_in_dim3A_34 : f32 to vector<16xf32>
    %swap3A_36 = arith.constant 96 : index
    %swap3A_37 = tpu.vector_load %arg6[%swap3A_36] {strides = array<i32>} : memref<128xf32, #tpu.memory_space<vmem>>, vector<16xf32>,
    %swap3A_38 = vector.shape_cast %swap3A_37 : vector<16xf32> to vector<16xf32>
    %swap3A_39 = vector.shape_cast %broadcast_in_dim3A_35 : vector<16xf32> to vector<16xf32>
    tpu.vector_store %arg6[%swap3A_36], %swap3A_39 {strides = array<i32>} : memref<128xf32, #tpu.memory_space<vmem>>, vector<16xf32>,
    %broadcast_in_dim3A_40 = arith.constant 5.000000e-01 : f32
    %broadcast_in_dim3A_41 = vector.broadcast %broadcast_in_dim3A_40 : f32 to vector<16xf32>
    %swap3A_42 = arith.constant 112 : index
    %swap3A_43 = tpu.vector_load %arg6[%swap3A_42] {strides = array<i32>} : memref<128xf32, #tpu.memory_space<vmem>>, vector<16xf32>,
    %swap3A_44 = vector.shape_cast %swap3A_43 : vector<16xf32> to vector<16xf32>
    %swap3A_45 = vector.shape_cast %broadcast_in_dim3A_41 : vector<16xf32> to vector<16xf32>
    tpu.vector_store %arg6[%swap3A_42], %swap3A_45 {strides = array<i32>} : memref<128xf32, #tpu.memory_space<vmem>>, vector<16xf32>,
    %mul3A = arith.constant 640 : i32
    %mul3A_46 = arith.muli %arg1, %mul3A : i32
    %mul3A_47 = arith.constant 640 : i32
    %mul3A_48 = arith.muli %arg1, %mul3A_47 : i32
    "tpu.region"() ({
      %run_scoped3A = tpu.sem_alloc : memref<!tpu.dma_semaphore, #tpu.memory_space<semaphore_mem>>
      %dma_start3A = tpu.memref_slice %arg7[%mul3A_48] : memref<10240xf32, #tpu.memory_space<vmem_shared>> -> memref<640xf32, #tpu.memory_space<vmem_shared>>
      %dma_start3A_82 = tpu.memref_slice %arg3[%mul3A_46] : memref<10240xf32, #tpu.memory_space<hbm>> -> memref<640xf32, #tpu.memory_space<hbm>>
      tpu.enqueue_dma source(%dma_start3A_82 : memref<640xf32, #tpu.memory_space<hbm>>) target(%dma_start3A : memref<640xf32, #tpu.memory_space<vmem_shared>>) target_semaphore(%run_scoped3A : memref<!tpu.dma_semaphore, #tpu.memory_space<semaphore_mem>>)
      %dma_wait3A_83 = tpu.memref_slice %arg7[%mul3A_48] : memref<10240xf32, #tpu.memory_space<vmem_shared>> -> memref<640xf32, #tpu.memory_space<vmem_shared>>
      %dma_wait3A_84 = tpu.memref_slice %arg3[%mul3A_46] : memref<10240xf32, #tpu.memory_space<hbm>> -> memref<640xf32, #tpu.memory_space<hbm>>
      tpu.wait_dma2 semaphore(%run_scoped3A : memref<!tpu.dma_semaphore, #tpu.memory_space<semaphore_mem>>) src(%dma_wait3A_84 : memref<640xf32, #tpu.memory_space<hbm>>) dst(%dma_wait3A_83 : memref<640xf32, #tpu.memory_space<vmem_shared>>)
      tpu.yield
    }) : () -> ()
    %barrier3A = arith.constant 0 : index
    tpu.barrier barrier_id(%barrier3A)
    %scan3A = arith.constant 0 : i32
    %scan3A_49 = arith.constant 0 : i32
    %scan3A_50 = arith.constant 157 : i32
    %scan3A_51 = arith.addi %scan3A_49, %scan3A_50 : i32
    %scan3A_52 = arith.constant 1 : i32
    scf.for %scan3A_82 = %scan3A_49 to %scan3A_51 step %scan3A_52  : i32 {
      %dma_start3A = arith.constant 0 : i32
      %dma_start3A_83 = tpu.memref_slice %arg5[%scan3A_82, %dma_start3A] : memref<157x128xi32, #tpu.memory_space<vmem>> -> memref<1x128xi32, #tpu.memory_space<vmem>>
      %dma_start3A_84 = tpu.memref_squeeze %dma_start3A_83 : memref<1x128xi32, #tpu.memory_space<vmem>> -> memref<128xi32, #tpu.memory_space<vmem>>
      %dma_start3A_85 = arith.constant 0 : i32
      %dma_start3A_86 = tpu.memref_slice %arg7[%dma_start3A_85] : memref<10240xf32, #tpu.memory_space<vmem_shared>> -> memref<10240xf32, #tpu.memory_space<vmem_shared>>
      tpu.enqueue_indirect_dma source(%arg6 : memref<128xf32, #tpu.memory_space<vmem>>) target(%dma_start3A_86 : memref<10240xf32, #tpu.memory_space<vmem_shared>>) offsets(%dma_start3A_84 : memref<128xi32, #tpu.memory_space<vmem>>) semaphore(%arg8 : memref<!tpu.dma_semaphore, #tpu.memory_space<semaphore_mem>>) {add = true}
      %ge3A = arith.constant 4 : i32
      %ge3A_87 = arith.cmpi sge, %scan3A_82, %ge3A : i32
      %convert_element_type3A = arith.extui %ge3A_87 : i1 to i32
      %cond3A = arith.constant 0 : i32
      %cond3A_88 = arith.cmpi ne, %convert_element_type3A, %cond3A : i32
      scf.if %cond3A_88 {
        %sub3A = arith.constant 4 : i32
        %sub3A_89 = arith.subi %scan3A_82, %sub3A : i32
        %dma_wait3A_90 = arith.constant 0 : i32
        %dma_wait3A_91 = tpu.memref_slice %arg5[%sub3A_89, %dma_wait3A_90] : memref<157x128xi32, #tpu.memory_space<vmem>> -> memref<1x128xi32, #tpu.memory_space<vmem>>
        %dma_wait3A_92 = tpu.memref_squeeze %dma_wait3A_91 : memref<1x128xi32, #tpu.memory_space<vmem>> -> memref<128xi32, #tpu.memory_space<vmem>>
        %dma_wait3A_93 = arith.constant 0 : i32
        %dma_wait3A_94 = tpu.memref_slice %arg7[%dma_wait3A_93] : memref<10240xf32, #tpu.memory_space<vmem_shared>> -> memref<10240xf32, #tpu.memory_space<vmem_shared>>
        tpu.wait_indirect_dma semaphore(%arg8 : memref<!tpu.dma_semaphore, #tpu.memory_space<semaphore_mem>>) src(%arg6 : memref<128xf32, #tpu.memory_space<vmem>>) dst(%dma_wait3A_94 : memref<10240xf32, #tpu.memory_space<vmem_shared>>)
      } else {
      }
    }
    %scan3A_53 = arith.constant 157 : i32
    %dma_wait3A = arith.constant 153 : i32
    %dma_wait3A_54 = arith.constant 0 : i32
    %dma_wait3A_55 = tpu.memref_slice %arg5[%dma_wait3A, %dma_wait3A_54] : memref<157x128xi32, #tpu.memory_space<vmem>> -> memref<1x128xi32, #tpu.memory_space<vmem>>
    %dma_wait3A_56 = tpu.memref_squeeze %dma_wait3A_55 : memref<1x128xi32, #tpu.memory_space<vmem>> -> memref<128xi32, #tpu.memory_space<vmem>>
    %dma_wait3A_57 = arith.constant 0 : i32
    %dma_wait3A_58 = tpu.memref_slice %arg7[%dma_wait3A_57] : memref<10240xf32, #tpu.memory_space<vmem_shared>> -> memref<10240xf32, #tpu.memory_space<vmem_shared>>
    tpu.wait_indirect_dma semaphore(%arg8 : memref<!tpu.dma_semaphore, #tpu.memory_space<semaphore_mem>>) src(%arg6 : memref<128xf32, #tpu.memory_space<vmem>>) dst(%dma_wait3A_58 : memref<10240xf32, #tpu.memory_space<vmem_shared>>)
    %dma_wait3A_59 = arith.constant 154 : i32
    %dma_wait3A_60 = arith.constant 0 : i32
    %dma_wait3A_61 = tpu.memref_slice %arg5[%dma_wait3A_59, %dma_wait3A_60] : memref<157x128xi32, #tpu.memory_space<vmem>> -> memref<1x128xi32, #tpu.memory_space<vmem>>
    %dma_wait3A_62 = tpu.memref_squeeze %dma_wait3A_61 : memref<1x128xi32, #tpu.memory_space<vmem>> -> memref<128xi32, #tpu.memory_space<vmem>>
    %dma_wait3A_63 = arith.constant 0 : i32
    %dma_wait3A_64 = tpu.memref_slice %arg7[%dma_wait3A_63] : memref<10240xf32, #tpu.memory_space<vmem_shared>> -> memref<10240xf32, #tpu.memory_space<vmem_shared>>
    tpu.wait_indirect_dma semaphore(%arg8 : memref<!tpu.dma_semaphore, #tpu.memory_space<semaphore_mem>>) src(%arg6 : memref<128xf32, #tpu.memory_space<vmem>>) dst(%dma_wait3A_64 : memref<10240xf32, #tpu.memory_space<vmem_shared>>)
    %dma_wait3A_65 = arith.constant 155 : i32
    %dma_wait3A_66 = arith.constant 0 : i32
    %dma_wait3A_67 = tpu.memref_slice %arg5[%dma_wait3A_65, %dma_wait3A_66] : memref<157x128xi32, #tpu.memory_space<vmem>> -> memref<1x128xi32, #tpu.memory_space<vmem>>
    %dma_wait3A_68 = tpu.memref_squeeze %dma_wait3A_67 : memref<1x128xi32, #tpu.memory_space<vmem>> -> memref<128xi32, #tpu.memory_space<vmem>>
    %dma_wait3A_69 = arith.constant 0 : i32
    %dma_wait3A_70 = tpu.memref_slice %arg7[%dma_wait3A_69] : memref<10240xf32, #tpu.memory_space<vmem_shared>> -> memref<10240xf32, #tpu.memory_space<vmem_shared>>
    tpu.wait_indirect_dma semaphore(%arg8 : memref<!tpu.dma_semaphore, #tpu.memory_space<semaphore_mem>>) src(%arg6 : memref<128xf32, #tpu.memory_space<vmem>>) dst(%dma_wait3A_70 : memref<10240xf32, #tpu.memory_space<vmem_shared>>)
    %dma_wait3A_71 = arith.constant 156 : i32
    %dma_wait3A_72 = arith.constant 0 : i32
    %dma_wait3A_73 = tpu.memref_slice %arg5[%dma_wait3A_71, %dma_wait3A_72] : memref<157x128xi32, #tpu.memory_space<vmem>> -> memref<1x128xi32, #tpu.memory_space<vmem>>
    %dma_wait3A_74 = tpu.memref_squeeze %dma_wait3A_73 : memref<1x128xi32, #tpu.memory_space<vmem>> -> memref<128xi32, #tpu.memory_space<vmem>>
    %dma_wait3A_75 = arith.constant 0 : i32
    %dma_wait3A_76 = tpu.memref_slice %arg7[%dma_wait3A_75] : memref<10240xf32, #tpu.memory_space<vmem_shared>> -> memref<10240xf32, #tpu.memory_space<vmem_shared>>
    tpu.wait_indirect_dma semaphore(%arg8 : memref<!tpu.dma_semaphore, #tpu.memory_space<semaphore_mem>>) src(%arg6 : memref<128xf32, #tpu.memory_space<vmem>>) dst(%dma_wait3A_76 : memref<10240xf32, #tpu.memory_space<vmem_shared>>)
    %barrier3A_77 = arith.constant 0 : index
    tpu.barrier barrier_id(%barrier3A_77)
    %mul3A_78 = arith.constant 640 : i32
    %mul3A_79 = arith.muli %arg1, %mul3A_78 : i32
    %mul3A_80 = arith.constant 640 : i32
    %mul3A_81 = arith.muli %arg1, %mul3A_80 : i32
    "tpu.region"() ({
      %run_scoped3A = tpu.sem_alloc : memref<!tpu.dma_semaphore, #tpu.memory_space<semaphore_mem>>
      %dma_start3A = tpu.memref_slice %arg4[%arg0, %mul3A_81] : memref<2x10240xf32, #tpu.memory_space<hbm>> -> memref<1x640xf32, #tpu.memory_space<hbm>>
      %dma_start3A_82 = tpu.memref_squeeze %dma_start3A : memref<1x640xf32, #tpu.memory_space<hbm>> -> memref<640xf32, #tpu.memory_space<hbm>>
      %dma_start3A_83 = tpu.memref_slice %arg7[%mul3A_79] : memref<10240xf32, #tpu.memory_space<vmem_shared>> -> memref<640xf32, #tpu.memory_space<vmem_shared>>
      tpu.enqueue_dma source(%dma_start3A_83 : memref<640xf32, #tpu.memory_space<vmem_shared>>) target(%dma_start3A_82 : memref<640xf32, #tpu.memory_space<hbm>>) target_semaphore(%run_scoped3A : memref<!tpu.dma_semaphore, #tpu.memory_space<semaphore_mem>>)
      %dma_wait3A_84 = tpu.memref_slice %arg4[%arg0, %mul3A_81] : memref<2x10240xf32, #tpu.memory_space<hbm>> -> memref<1x640xf32, #tpu.memory_space<hbm>>
      %dma_wait3A_85 = tpu.memref_squeeze %dma_wait3A_84 : memref<1x640xf32, #tpu.memory_space<hbm>> -> memref<640xf32, #tpu.memory_space<hbm>>
      %dma_wait3A_86 = tpu.memref_slice %arg7[%mul3A_79] : memref<10240xf32, #tpu.memory_space<vmem_shared>> -> memref<640xf32, #tpu.memory_space<vmem_shared>>
      tpu.wait_dma2 semaphore(%run_scoped3A : memref<!tpu.dma_semaphore, #tpu.memory_space<semaphore_mem>>) src(%dma_wait3A_86 : memref<640xf32, #tpu.memory_space<vmem_shared>>) dst(%dma_wait3A_85 : memref<640xf32, #tpu.memory_space<hbm>>)
      tpu.yield
    }) : () -> ()
    return
  }
}

#map = affine_map<(d0, d1) -> (0, 0, 0)>
#map1 = affine_map<(d0, d1) -> (0, 0)>
module attributes {stable_mosaic.version = 14 : i64} {
  func.func @agg_kernel(%arg0: i32, %arg1: i32, %arg2: memref<2x10000x64xf32, #tpu.memory_space<hbm>>, %arg3: memref<16x157x128xi32, #tpu.memory_space<hbm>>, %arg4: memref<16x157x128xi32, #tpu.memory_space<hbm>>, %arg5: memref<10240x64xf32, #tpu.memory_space<hbm>>, %arg6: memref<2x10240x64xf32, #tpu.memory_space<hbm>>, %arg7: memref<157x128xi32, #tpu.memory_space<vmem>>, %arg8: memref<157x128xi32, #tpu.memory_space<vmem>>, %arg9: memref<6x128x64xf32, #tpu.memory_space<vmem>>, %arg10: memref<10240x64xf32, #tpu.memory_space<vmem_shared>>, %arg11: memref<!tpu.dma_semaphore, #tpu.memory_space<semaphore_mem>>, %arg12: memref<!tpu.dma_semaphore, #tpu.memory_space<semaphore_mem>>, %arg13: memref<!tpu.dma_semaphore, #tpu.memory_space<semaphore_mem>>) attributes {dimension_semantics = [#tpu.dimension_semantics<core_parallel>, #tpu.dimension_semantics<subcore_parallel>], iteration_bounds = array<i64: 2, 16>, scalar_prefetch = 0 : i64, scratch_operands = 7 : i64, tpu.core_type = #tpu.core_type<sc_vector_subcore>, window_params = [{transform_indices = #map}, {transform_indices = #map}, {transform_indices = #map}, {transform_indices = #map1}, {transform_indices = #map}]} {
    %dma_start3A = arith.constant 0 : i32
    %dma_start3A_0 = arith.constant 0 : i32
    %dma_start3A_1 = tpu.memref_slice %arg3[%arg1, %dma_start3A, %dma_start3A_0] : memref<16x157x128xi32, #tpu.memory_space<hbm>> -> memref<1x157x128xi32, #tpu.memory_space<hbm>>
    %dma_start3A_2 = tpu.memref_squeeze %dma_start3A_1 : memref<1x157x128xi32, #tpu.memory_space<hbm>> -> memref<157x128xi32, #tpu.memory_space<hbm>>
    %dma_start3A_3 = arith.constant 0 : i32
    %dma_start3A_4 = arith.constant 0 : i32
    %dma_start3A_5 = tpu.memref_slice %arg3[%arg1, %dma_start3A_3, %dma_start3A_4] : memref<16x157x128xi32, #tpu.memory_space<hbm>> -> memref<1x157x128xi32, #tpu.memory_space<hbm>>
    %dma_start3A_6 = tpu.memref_squeeze %dma_start3A_5 : memref<1x157x128xi32, #tpu.memory_space<hbm>> -> memref<157x128xi32, #tpu.memory_space<hbm>>
    tpu.enqueue_dma source(%dma_start3A_6 : memref<157x128xi32, #tpu.memory_space<hbm>>) target(%arg7 : memref<157x128xi32, #tpu.memory_space<vmem>>) target_semaphore(%arg13 : memref<!tpu.dma_semaphore, #tpu.memory_space<semaphore_mem>>)
    %dma_start3A_7 = arith.constant 0 : i32
    %dma_start3A_8 = arith.constant 0 : i32
    %dma_start3A_9 = tpu.memref_slice %arg4[%arg1, %dma_start3A_7, %dma_start3A_8] : memref<16x157x128xi32, #tpu.memory_space<hbm>> -> memref<1x157x128xi32, #tpu.memory_space<hbm>>
    %dma_start3A_10 = tpu.memref_squeeze %dma_start3A_9 : memref<1x157x128xi32, #tpu.memory_space<hbm>> -> memref<157x128xi32, #tpu.memory_space<hbm>>
    %dma_start3A_11 = arith.constant 0 : i32
    %dma_start3A_12 = arith.constant 0 : i32
    %dma_start3A_13 = tpu.memref_slice %arg4[%arg1, %dma_start3A_11, %dma_start3A_12] : memref<16x157x128xi32, #tpu.memory_space<hbm>> -> memref<1x157x128xi32, #tpu.memory_space<hbm>>
    %dma_start3A_14 = tpu.memref_squeeze %dma_start3A_13 : memref<1x157x128xi32, #tpu.memory_space<hbm>> -> memref<157x128xi32, #tpu.memory_space<hbm>>
    tpu.enqueue_dma source(%dma_start3A_14 : memref<157x128xi32, #tpu.memory_space<hbm>>) target(%arg8 : memref<157x128xi32, #tpu.memory_space<vmem>>) target_semaphore(%arg13 : memref<!tpu.dma_semaphore, #tpu.memory_space<semaphore_mem>>)
    %mul3A = arith.constant 640 : i32
    %mul3A_15 = arith.muli %arg1, %mul3A : i32
    %mul3A_16 = arith.constant 640 : i32
    %mul3A_17 = arith.muli %arg1, %mul3A_16 : i32
    %dma_start3A_18 = arith.constant 0 : i32
    %dma_start3A_19 = tpu.memref_slice %arg10[%mul3A_17, %dma_start3A_18] : memref<10240x64xf32, #tpu.memory_space<vmem_shared>> -> memref<640x64xf32, #tpu.memory_space<vmem_shared>>
    %dma_start3A_20 = arith.constant 0 : i32
    %dma_start3A_21 = tpu.memref_slice %arg5[%mul3A_15, %dma_start3A_20] : memref<10240x64xf32, #tpu.memory_space<hbm>> -> memref<640x64xf32, #tpu.memory_space<hbm>>
    tpu.enqueue_dma source(%dma_start3A_21 : memref<640x64xf32, #tpu.memory_space<hbm>>) target(%dma_start3A_19 : memref<640x64xf32, #tpu.memory_space<vmem_shared>>) target_semaphore(%arg13 : memref<!tpu.dma_semaphore, #tpu.memory_space<semaphore_mem>>)
    %dma_wait3A = arith.constant 0 : i32
    %dma_wait3A_22 = arith.constant 0 : i32
    %dma_wait3A_23 = tpu.memref_slice %arg3[%arg1, %dma_wait3A, %dma_wait3A_22] : memref<16x157x128xi32, #tpu.memory_space<hbm>> -> memref<1x157x128xi32, #tpu.memory_space<hbm>>
    %dma_wait3A_24 = tpu.memref_squeeze %dma_wait3A_23 : memref<1x157x128xi32, #tpu.memory_space<hbm>> -> memref<157x128xi32, #tpu.memory_space<hbm>>
    %dma_wait3A_25 = arith.constant 0 : i32
    %dma_wait3A_26 = arith.constant 0 : i32
    %dma_wait3A_27 = tpu.memref_slice %arg3[%arg1, %dma_wait3A_25, %dma_wait3A_26] : memref<16x157x128xi32, #tpu.memory_space<hbm>> -> memref<1x157x128xi32, #tpu.memory_space<hbm>>
    %dma_wait3A_28 = tpu.memref_squeeze %dma_wait3A_27 : memref<1x157x128xi32, #tpu.memory_space<hbm>> -> memref<157x128xi32, #tpu.memory_space<hbm>>
    tpu.wait_dma2 semaphore(%arg13 : memref<!tpu.dma_semaphore, #tpu.memory_space<semaphore_mem>>) src(%dma_wait3A_28 : memref<157x128xi32, #tpu.memory_space<hbm>>) dst(%arg7 : memref<157x128xi32, #tpu.memory_space<vmem>>)
    %dma_wait3A_29 = arith.constant 0 : i32
    %dma_wait3A_30 = arith.constant 0 : i32
    %dma_wait3A_31 = tpu.memref_slice %arg4[%arg1, %dma_wait3A_29, %dma_wait3A_30] : memref<16x157x128xi32, #tpu.memory_space<hbm>> -> memref<1x157x128xi32, #tpu.memory_space<hbm>>
    %dma_wait3A_32 = tpu.memref_squeeze %dma_wait3A_31 : memref<1x157x128xi32, #tpu.memory_space<hbm>> -> memref<157x128xi32, #tpu.memory_space<hbm>>
    %dma_wait3A_33 = arith.constant 0 : i32
    %dma_wait3A_34 = arith.constant 0 : i32
    %dma_wait3A_35 = tpu.memref_slice %arg4[%arg1, %dma_wait3A_33, %dma_wait3A_34] : memref<16x157x128xi32, #tpu.memory_space<hbm>> -> memref<1x157x128xi32, #tpu.memory_space<hbm>>
    %dma_wait3A_36 = tpu.memref_squeeze %dma_wait3A_35 : memref<1x157x128xi32, #tpu.memory_space<hbm>> -> memref<157x128xi32, #tpu.memory_space<hbm>>
    tpu.wait_dma2 semaphore(%arg13 : memref<!tpu.dma_semaphore, #tpu.memory_space<semaphore_mem>>) src(%dma_wait3A_36 : memref<157x128xi32, #tpu.memory_space<hbm>>) dst(%arg8 : memref<157x128xi32, #tpu.memory_space<vmem>>)
    %mul3A_37 = arith.constant 640 : i32
    %mul3A_38 = arith.muli %arg1, %mul3A_37 : i32
    %mul3A_39 = arith.constant 640 : i32
    %mul3A_40 = arith.muli %arg1, %mul3A_39 : i32
    %dma_wait3A_41 = arith.constant 0 : i32
    %dma_wait3A_42 = tpu.memref_slice %arg10[%mul3A_40, %dma_wait3A_41] : memref<10240x64xf32, #tpu.memory_space<vmem_shared>> -> memref<640x64xf32, #tpu.memory_space<vmem_shared>>
    %dma_wait3A_43 = arith.constant 0 : i32
    %dma_wait3A_44 = tpu.memref_slice %arg5[%mul3A_38, %dma_wait3A_43] : memref<10240x64xf32, #tpu.memory_space<hbm>> -> memref<640x64xf32, #tpu.memory_space<hbm>>
    tpu.wait_dma2 semaphore(%arg13 : memref<!tpu.dma_semaphore, #tpu.memory_space<semaphore_mem>>) src(%dma_wait3A_44 : memref<640x64xf32, #tpu.memory_space<hbm>>) dst(%dma_wait3A_42 : memref<640x64xf32, #tpu.memory_space<vmem_shared>>)
    %barrier3A = arith.constant 0 : index
    tpu.barrier barrier_id(%barrier3A)
    %dma_start3A_45 = arith.constant 0 : i32
    %dma_start3A_46 = arith.constant 0 : i32
    %dma_start3A_47 = arith.constant 0 : i32
    %dma_start3A_48 = arith.constant 0 : i32
    %dma_start3A_49 = tpu.memref_slice %arg9[%dma_start3A_46, %dma_start3A_47, %dma_start3A_48] : memref<6x128x64xf32, #tpu.memory_space<vmem>> -> memref<1x128x64xf32, #tpu.memory_space<vmem>>
    %dma_start3A_50 = tpu.memref_squeeze %dma_start3A_49 : memref<1x128x64xf32, #tpu.memory_space<vmem>> -> memref<128x64xf32, #tpu.memory_space<vmem>>
    %dma_start3A_51 = arith.constant 0 : i32
    %dma_start3A_52 = tpu.memref_slice %arg7[%dma_start3A_45, %dma_start3A_51] : memref<157x128xi32, #tpu.memory_space<vmem>> -> memref<1x128xi32, #tpu.memory_space<vmem>>
    %dma_start3A_53 = tpu.memref_squeeze %dma_start3A_52 : memref<1x128xi32, #tpu.memory_space<vmem>> -> memref<128xi32, #tpu.memory_space<vmem>>
    %dma_start3A_54 = arith.constant 0 : i32
    %dma_start3A_55 = arith.constant 0 : i32
    %dma_start3A_56 = tpu.memref_slice %arg2[%arg0, %dma_start3A_54, %dma_start3A_55] : memref<2x10000x64xf32, #tpu.memory_space<hbm>> -> memref<1x10000x64xf32, #tpu.memory_space<hbm>>
    %dma_start3A_57 = tpu.memref_squeeze %dma_start3A_56 : memref<1x10000x64xf32, #tpu.memory_space<hbm>> -> memref<10000x64xf32, #tpu.memory_space<hbm>>
    %dma_start3A_58 = arith.constant 0 : i32
    %dma_start3A_59 = arith.constant 0 : i32
    %dma_start3A_60 = tpu.memref_slice %dma_start3A_57[%dma_start3A_58, %dma_start3A_59] : memref<10000x64xf32, #tpu.memory_space<hbm>> -> memref<10000x64xf32, #tpu.memory_space<hbm>>
    tpu.enqueue_indirect_dma source(%dma_start3A_60 : memref<10000x64xf32, #tpu.memory_space<hbm>>) target(%dma_start3A_50 : memref<128x64xf32, #tpu.memory_space<vmem>>) offsets(%dma_start3A_53 : memref<128xi32, #tpu.memory_space<vmem>>) semaphore(%arg11 : memref<!tpu.dma_semaphore, #tpu.memory_space<semaphore_mem>>)
    %dma_start3A_61 = arith.constant 1 : i32
    %dma_start3A_62 = arith.constant 1 : i32
    %dma_start3A_63 = arith.constant 0 : i32
    %dma_start3A_64 = arith.constant 0 : i32
    %dma_start3A_65 = tpu.memref_slice %arg9[%dma_start3A_62, %dma_start3A_63, %dma_start3A_64] : memref<6x128x64xf32, #tpu.memory_space<vmem>> -> memref<1x128x64xf32, #tpu.memory_space<vmem>>
    %dma_start3A_66 = tpu.memref_squeeze %dma_start3A_65 : memref<1x128x64xf32, #tpu.memory_space<vmem>> -> memref<128x64xf32, #tpu.memory_space<vmem>>
    %dma_start3A_67 = arith.constant 0 : i32
    %dma_start3A_68 = tpu.memref_slice %arg7[%dma_start3A_61, %dma_start3A_67] : memref<157x128xi32, #tpu.memory_space<vmem>> -> memref<1x128xi32, #tpu.memory_space<vmem>>
    %dma_start3A_69 = tpu.memref_squeeze %dma_start3A_68 : memref<1x128xi32, #tpu.memory_space<vmem>> -> memref<128xi32, #tpu.memory_space<vmem>>
    %dma_start3A_70 = arith.constant 0 : i32
    %dma_start3A_71 = arith.constant 0 : i32
    %dma_start3A_72 = tpu.memref_slice %arg2[%arg0, %dma_start3A_70, %dma_start3A_71] : memref<2x10000x64xf32, #tpu.memory_space<hbm>> -> memref<1x10000x64xf32, #tpu.memory_space<hbm>>
    %dma_start3A_73 = tpu.memref_squeeze %dma_start3A_72 : memref<1x10000x64xf32, #tpu.memory_space<hbm>> -> memref<10000x64xf32, #tpu.memory_space<hbm>>
    %dma_start3A_74 = arith.constant 0 : i32
    %dma_start3A_75 = arith.constant 0 : i32
    %dma_start3A_76 = tpu.memref_slice %dma_start3A_73[%dma_start3A_74, %dma_start3A_75] : memref<10000x64xf32, #tpu.memory_space<hbm>> -> memref<10000x64xf32, #tpu.memory_space<hbm>>
    tpu.enqueue_indirect_dma source(%dma_start3A_76 : memref<10000x64xf32, #tpu.memory_space<hbm>>) target(%dma_start3A_66 : memref<128x64xf32, #tpu.memory_space<vmem>>) offsets(%dma_start3A_69 : memref<128xi32, #tpu.memory_space<vmem>>) semaphore(%arg11 : memref<!tpu.dma_semaphore, #tpu.memory_space<semaphore_mem>>)
    %dma_start3A_77 = arith.constant 2 : i32
    %dma_start3A_78 = arith.constant 2 : i32
    %dma_start3A_79 = arith.constant 0 : i32
    %dma_start3A_80 = arith.constant 0 : i32
    %dma_start3A_81 = tpu.memref_slice %arg9[%dma_start3A_78, %dma_start3A_79, %dma_start3A_80] : memref<6x128x64xf32, #tpu.memory_space<vmem>> -> memref<1x128x64xf32, #tpu.memory_space<vmem>>
    %dma_start3A_82 = tpu.memref_squeeze %dma_start3A_81 : memref<1x128x64xf32, #tpu.memory_space<vmem>> -> memref<128x64xf32, #tpu.memory_space<vmem>>
    %dma_start3A_83 = arith.constant 0 : i32
    %dma_start3A_84 = tpu.memref_slice %arg7[%dma_start3A_77, %dma_start3A_83] : memref<157x128xi32, #tpu.memory_space<vmem>> -> memref<1x128xi32, #tpu.memory_space<vmem>>
    %dma_start3A_85 = tpu.memref_squeeze %dma_start3A_84 : memref<1x128xi32, #tpu.memory_space<vmem>> -> memref<128xi32, #tpu.memory_space<vmem>>
    %dma_start3A_86 = arith.constant 0 : i32
    %dma_start3A_87 = arith.constant 0 : i32
    %dma_start3A_88 = tpu.memref_slice %arg2[%arg0, %dma_start3A_86, %dma_start3A_87] : memref<2x10000x64xf32, #tpu.memory_space<hbm>> -> memref<1x10000x64xf32, #tpu.memory_space<hbm>>
    %dma_start3A_89 = tpu.memref_squeeze %dma_start3A_88 : memref<1x10000x64xf32, #tpu.memory_space<hbm>> -> memref<10000x64xf32, #tpu.memory_space<hbm>>
    %dma_start3A_90 = arith.constant 0 : i32
    %dma_start3A_91 = arith.constant 0 : i32
    %dma_start3A_92 = tpu.memref_slice %dma_start3A_89[%dma_start3A_90, %dma_start3A_91] : memref<10000x64xf32, #tpu.memory_space<hbm>> -> memref<10000x64xf32, #tpu.memory_space<hbm>>
    tpu.enqueue_indirect_dma source(%dma_start3A_92 : memref<10000x64xf32, #tpu.memory_space<hbm>>) target(%dma_start3A_82 : memref<128x64xf32, #tpu.memory_space<vmem>>) offsets(%dma_start3A_85 : memref<128xi32, #tpu.memory_space<vmem>>) semaphore(%arg11 : memref<!tpu.dma_semaphore, #tpu.memory_space<semaphore_mem>>)
    %scan3A = arith.constant 0 : i32
    %scan3A_93 = arith.constant 0 : i32
    %scan3A_94 = arith.constant 157 : i32
    %scan3A_95 = arith.addi %scan3A_93, %scan3A_94 : i32
    %scan3A_96 = arith.constant 1 : i32
    scf.for %scan3A_127 = %scan3A_93 to %scan3A_95 step %scan3A_96  : i32 {
      %rem3A = arith.constant 6 : i32
      %rem3A_128 = arith.remsi %scan3A_127, %rem3A : i32
      %dma_wait3A_129 = arith.constant 0 : i32
      %dma_wait3A_130 = arith.constant 0 : i32
      %dma_wait3A_131 = tpu.memref_slice %arg9[%rem3A_128, %dma_wait3A_129, %dma_wait3A_130] : memref<6x128x64xf32, #tpu.memory_space<vmem>> -> memref<1x128x64xf32, #tpu.memory_space<vmem>>
      %dma_wait3A_132 = tpu.memref_squeeze %dma_wait3A_131 : memref<1x128x64xf32, #tpu.memory_space<vmem>> -> memref<128x64xf32, #tpu.memory_space<vmem>>
      %dma_wait3A_133 = arith.constant 0 : i32
      %dma_wait3A_134 = tpu.memref_slice %arg7[%scan3A_127, %dma_wait3A_133] : memref<157x128xi32, #tpu.memory_space<vmem>> -> memref<1x128xi32, #tpu.memory_space<vmem>>
      %dma_wait3A_135 = tpu.memref_squeeze %dma_wait3A_134 : memref<1x128xi32, #tpu.memory_space<vmem>> -> memref<128xi32, #tpu.memory_space<vmem>>
      %dma_wait3A_136 = arith.constant 0 : i32
      %dma_wait3A_137 = arith.constant 0 : i32
      %dma_wait3A_138 = tpu.memref_slice %arg2[%arg0, %dma_wait3A_136, %dma_wait3A_137] : memref<2x10000x64xf32, #tpu.memory_space<hbm>> -> memref<1x10000x64xf32, #tpu.memory_space<hbm>>
      %dma_wait3A_139 = tpu.memref_squeeze %dma_wait3A_138 : memref<1x10000x64xf32, #tpu.memory_space<hbm>> -> memref<10000x64xf32, #tpu.memory_space<hbm>>
      %dma_wait3A_140 = arith.constant 0 : i32
      %dma_wait3A_141 = arith.constant 0 : i32
      %dma_wait3A_142 = tpu.memref_slice %dma_wait3A_139[%dma_wait3A_140, %dma_wait3A_141] : memref<10000x64xf32, #tpu.memory_space<hbm>> -> memref<10000x64xf32, #tpu.memory_space<hbm>>
      tpu.wait_indirect_dma semaphore(%arg11 : memref<!tpu.dma_semaphore, #tpu.memory_space<semaphore_mem>>) src(%dma_wait3A_142 : memref<10000x64xf32, #tpu.memory_space<hbm>>) dst(%dma_wait3A_132 : memref<128x64xf32, #tpu.memory_space<vmem>>)
      %dma_start3A_143 = arith.constant 0 : i32
      %dma_start3A_144 = arith.constant 0 : i32
      %dma_start3A_145 = tpu.memref_slice %arg9[%rem3A_128, %dma_start3A_143, %dma_start3A_144] : memref<6x128x64xf32, #tpu.memory_space<vmem>> -> memref<1x128x64xf32, #tpu.memory_space<vmem>>
      %dma_start3A_146 = tpu.memref_squeeze %dma_start3A_145 : memref<1x128x64xf32, #tpu.memory_space<vmem>> -> memref<128x64xf32, #tpu.memory_space<vmem>>
      %dma_start3A_147 = arith.constant 0 : i32
      %dma_start3A_148 = tpu.memref_slice %arg8[%scan3A_127, %dma_start3A_147] : memref<157x128xi32, #tpu.memory_space<vmem>> -> memref<1x128xi32, #tpu.memory_space<vmem>>
      %dma_start3A_149 = tpu.memref_squeeze %dma_start3A_148 : memref<1x128xi32, #tpu.memory_space<vmem>> -> memref<128xi32, #tpu.memory_space<vmem>>
      %dma_start3A_150 = arith.constant 0 : i32
      %dma_start3A_151 = arith.constant 0 : i32
      %dma_start3A_152 = tpu.memref_slice %arg10[%dma_start3A_150, %dma_start3A_151] : memref<10240x64xf32, #tpu.memory_space<vmem_shared>> -> memref<10240x64xf32, #tpu.memory_space<vmem_shared>>
      tpu.enqueue_indirect_dma source(%dma_start3A_146 : memref<128x64xf32, #tpu.memory_space<vmem>>) target(%dma_start3A_152 : memref<10240x64xf32, #tpu.memory_space<vmem_shared>>) offsets(%dma_start3A_149 : memref<128xi32, #tpu.memory_space<vmem>>) semaphore(%arg12 : memref<!tpu.dma_semaphore, #tpu.memory_space<semaphore_mem>>) {add = true}
      %ge3A = arith.constant 2 : i32
      %ge3A_153 = arith.cmpi sge, %scan3A_127, %ge3A : i32
      %convert_element_type3A = arith.extui %ge3A_153 : i1 to i32
      %cond3A = arith.constant 0 : i32
      %cond3A_154 = arith.cmpi ne, %convert_element_type3A, %cond3A : i32
      scf.if %cond3A_154 {
        %sub3A = arith.constant 2 : i32
        %sub3A_160 = arith.subi %scan3A_127, %sub3A : i32
        %rem3A_161 = arith.constant 6 : i32
        %rem3A_162 = arith.remsi %sub3A_160, %rem3A_161 : i32
        %sub3A_163 = arith.constant 2 : i32
        %sub3A_164 = arith.subi %scan3A_127, %sub3A_163 : i32
        %dma_wait3A_165 = arith.constant 0 : i32
        %dma_wait3A_166 = arith.constant 0 : i32
        %dma_wait3A_167 = tpu.memref_slice %arg9[%rem3A_162, %dma_wait3A_165, %dma_wait3A_166] : memref<6x128x64xf32, #tpu.memory_space<vmem>> -> memref<1x128x64xf32, #tpu.memory_space<vmem>>
        %dma_wait3A_168 = tpu.memref_squeeze %dma_wait3A_167 : memref<1x128x64xf32, #tpu.memory_space<vmem>> -> memref<128x64xf32, #tpu.memory_space<vmem>>
        %dma_wait3A_169 = arith.constant 0 : i32
        %dma_wait3A_170 = tpu.memref_slice %arg8[%sub3A_164, %dma_wait3A_169] : memref<157x128xi32, #tpu.memory_space<vmem>> -> memref<1x128xi32, #tpu.memory_space<vmem>>
        %dma_wait3A_171 = tpu.memref_squeeze %dma_wait3A_170 : memref<1x128xi32, #tpu.memory_space<vmem>> -> memref<128xi32, #tpu.memory_space<vmem>>
        %dma_wait3A_172 = arith.constant 0 : i32
        %dma_wait3A_173 = arith.constant 0 : i32
        %dma_wait3A_174 = tpu.memref_slice %arg10[%dma_wait3A_172, %dma_wait3A_173] : memref<10240x64xf32, #tpu.memory_space<vmem_shared>> -> memref<10240x64xf32, #tpu.memory_space<vmem_shared>>
        tpu.wait_indirect_dma semaphore(%arg12 : memref<!tpu.dma_semaphore, #tpu.memory_space<semaphore_mem>>) src(%dma_wait3A_168 : memref<128x64xf32, #tpu.memory_space<vmem>>) dst(%dma_wait3A_174 : memref<10240x64xf32, #tpu.memory_space<vmem_shared>>)
      } else {
      }
      %add3A = arith.constant 3 : i32
      %add3A_155 = arith.addi %scan3A_127, %add3A : i32
      %lt3A = arith.constant 157 : i32
      %lt3A_156 = arith.cmpi slt, %add3A_155, %lt3A : i32
      %convert_element_type3A_157 = arith.extui %lt3A_156 : i1 to i32
      %cond3A_158 = arith.constant 0 : i32
      %cond3A_159 = arith.cmpi ne, %convert_element_type3A_157, %cond3A_158 : i32
      scf.if %cond3A_159 {
        %add3A_160 = arith.constant 3 : i32
        %add3A_161 = arith.addi %scan3A_127, %add3A_160 : i32
        %add3A_162 = arith.constant 3 : i32
        %add3A_163 = arith.addi %scan3A_127, %add3A_162 : i32
        %rem3A_164 = arith.constant 6 : i32
        %rem3A_165 = arith.remsi %add3A_163, %rem3A_164 : i32
        %dma_start3A_166 = arith.constant 0 : i32
        %dma_start3A_167 = arith.constant 0 : i32
        %dma_start3A_168 = tpu.memref_slice %arg9[%rem3A_165, %dma_start3A_166, %dma_start3A_167] : memref<6x128x64xf32, #tpu.memory_space<vmem>> -> memref<1x128x64xf32, #tpu.memory_space<vmem>>
        %dma_start3A_169 = tpu.memref_squeeze %dma_start3A_168 : memref<1x128x64xf32, #tpu.memory_space<vmem>> -> memref<128x64xf32, #tpu.memory_space<vmem>>
        %dma_start3A_170 = arith.constant 0 : i32
        %dma_start3A_171 = tpu.memref_slice %arg7[%add3A_161, %dma_start3A_170] : memref<157x128xi32, #tpu.memory_space<vmem>> -> memref<1x128xi32, #tpu.memory_space<vmem>>
        %dma_start3A_172 = tpu.memref_squeeze %dma_start3A_171 : memref<1x128xi32, #tpu.memory_space<vmem>> -> memref<128xi32, #tpu.memory_space<vmem>>
        %dma_start3A_173 = arith.constant 0 : i32
        %dma_start3A_174 = arith.constant 0 : i32
        %dma_start3A_175 = tpu.memref_slice %arg2[%arg0, %dma_start3A_173, %dma_start3A_174] : memref<2x10000x64xf32, #tpu.memory_space<hbm>> -> memref<1x10000x64xf32, #tpu.memory_space<hbm>>
        %dma_start3A_176 = tpu.memref_squeeze %dma_start3A_175 : memref<1x10000x64xf32, #tpu.memory_space<hbm>> -> memref<10000x64xf32, #tpu.memory_space<hbm>>
        %dma_start3A_177 = arith.constant 0 : i32
        %dma_start3A_178 = arith.constant 0 : i32
        %dma_start3A_179 = tpu.memref_slice %dma_start3A_176[%dma_start3A_177, %dma_start3A_178] : memref<10000x64xf32, #tpu.memory_space<hbm>> -> memref<10000x64xf32, #tpu.memory_space<hbm>>
        tpu.enqueue_indirect_dma source(%dma_start3A_179 : memref<10000x64xf32, #tpu.memory_space<hbm>>) target(%dma_start3A_169 : memref<128x64xf32, #tpu.memory_space<vmem>>) offsets(%dma_start3A_172 : memref<128xi32, #tpu.memory_space<vmem>>) semaphore(%arg11 : memref<!tpu.dma_semaphore, #tpu.memory_space<semaphore_mem>>)
      } else {
      }
    }
    %scan3A_97 = arith.constant 157 : i32
    %dma_wait3A_98 = arith.constant 5 : i32
    %dma_wait3A_99 = arith.constant 155 : i32
    %dma_wait3A_100 = arith.constant 0 : i32
    %dma_wait3A_101 = arith.constant 0 : i32
    %dma_wait3A_102 = tpu.memref_slice %arg9[%dma_wait3A_98, %dma_wait3A_100, %dma_wait3A_101] : memref<6x128x64xf32, #tpu.memory_space<vmem>> -> memref<1x128x64xf32, #tpu.memory_space<vmem>>
    %dma_wait3A_103 = tpu.memref_squeeze %dma_wait3A_102 : memref<1x128x64xf32, #tpu.memory_space<vmem>> -> memref<128x64xf32, #tpu.memory_space<vmem>>
    %dma_wait3A_104 = arith.constant 0 : i32
    %dma_wait3A_105 = tpu.memref_slice %arg8[%dma_wait3A_99, %dma_wait3A_104] : memref<157x128xi32, #tpu.memory_space<vmem>> -> memref<1x128xi32, #tpu.memory_space<vmem>>
    %dma_wait3A_106 = tpu.memref_squeeze %dma_wait3A_105 : memref<1x128xi32, #tpu.memory_space<vmem>> -> memref<128xi32, #tpu.memory_space<vmem>>
    %dma_wait3A_107 = arith.constant 0 : i32
    %dma_wait3A_108 = arith.constant 0 : i32
    %dma_wait3A_109 = tpu.memref_slice %arg10[%dma_wait3A_107, %dma_wait3A_108] : memref<10240x64xf32, #tpu.memory_space<vmem_shared>> -> memref<10240x64xf32, #tpu.memory_space<vmem_shared>>
    tpu.wait_indirect_dma semaphore(%arg12 : memref<!tpu.dma_semaphore, #tpu.memory_space<semaphore_mem>>) src(%dma_wait3A_103 : memref<128x64xf32, #tpu.memory_space<vmem>>) dst(%dma_wait3A_109 : memref<10240x64xf32, #tpu.memory_space<vmem_shared>>)
    %dma_wait3A_110 = arith.constant 0 : i32
    %dma_wait3A_111 = arith.constant 156 : i32
    %dma_wait3A_112 = arith.constant 0 : i32
    %dma_wait3A_113 = arith.constant 0 : i32
    %dma_wait3A_114 = tpu.memref_slice %arg9[%dma_wait3A_110, %dma_wait3A_112, %dma_wait3A_113] : memref<6x128x64xf32, #tpu.memory_space<vmem>> -> memref<1x128x64xf32, #tpu.memory_space<vmem>>
    %dma_wait3A_115 = tpu.memref_squeeze %dma_wait3A_114 : memref<1x128x64xf32, #tpu.memory_space<vmem>> -> memref<128x64xf32, #tpu.memory_space<vmem>>
    %dma_wait3A_116 = arith.constant 0 : i32
    %dma_wait3A_117 = tpu.memref_slice %arg8[%dma_wait3A_111, %dma_wait3A_116] : memref<157x128xi32, #tpu.memory_space<vmem>> -> memref<1x128xi32, #tpu.memory_space<vmem>>
    %dma_wait3A_118 = tpu.memref_squeeze %dma_wait3A_117 : memref<1x128xi32, #tpu.memory_space<vmem>> -> memref<128xi32, #tpu.memory_space<vmem>>
    %dma_wait3A_119 = arith.constant 0 : i32
    %dma_wait3A_120 = arith.constant 0 : i32
    %dma_wait3A_121 = tpu.memref_slice %arg10[%dma_wait3A_119, %dma_wait3A_120] : memref<10240x64xf32, #tpu.memory_space<vmem_shared>> -> memref<10240x64xf32, #tpu.memory_space<vmem_shared>>
    tpu.wait_indirect_dma semaphore(%arg12 : memref<!tpu.dma_semaphore, #tpu.memory_space<semaphore_mem>>) src(%dma_wait3A_115 : memref<128x64xf32, #tpu.memory_space<vmem>>) dst(%dma_wait3A_121 : memref<10240x64xf32, #tpu.memory_space<vmem_shared>>)
    %barrier3A_122 = arith.constant 0 : index
    tpu.barrier barrier_id(%barrier3A_122)
    %mul3A_123 = arith.constant 640 : i32
    %mul3A_124 = arith.muli %arg1, %mul3A_123 : i32
    %mul3A_125 = arith.constant 640 : i32
    %mul3A_126 = arith.muli %arg1, %mul3A_125 : i32
    "tpu.region"() ({
      %run_scoped3A = tpu.sem_alloc : memref<!tpu.dma_semaphore, #tpu.memory_space<semaphore_mem>>
      %dma_start3A_127 = arith.constant 0 : i32
      %dma_start3A_128 = tpu.memref_slice %arg6[%arg0, %mul3A_126, %dma_start3A_127] : memref<2x10240x64xf32, #tpu.memory_space<hbm>> -> memref<1x640x64xf32, #tpu.memory_space<hbm>>
      %dma_start3A_129 = tpu.memref_squeeze %dma_start3A_128 : memref<1x640x64xf32, #tpu.memory_space<hbm>> -> memref<640x64xf32, #tpu.memory_space<hbm>>
      %dma_start3A_130 = arith.constant 0 : i32
      %dma_start3A_131 = tpu.memref_slice %arg10[%mul3A_124, %dma_start3A_130] : memref<10240x64xf32, #tpu.memory_space<vmem_shared>> -> memref<640x64xf32, #tpu.memory_space<vmem_shared>>
      tpu.enqueue_dma source(%dma_start3A_131 : memref<640x64xf32, #tpu.memory_space<vmem_shared>>) target(%dma_start3A_129 : memref<640x64xf32, #tpu.memory_space<hbm>>) target_semaphore(%run_scoped3A : memref<!tpu.dma_semaphore, #tpu.memory_space<semaphore_mem>>)
      %dma_wait3A_132 = arith.constant 0 : i32
      %dma_wait3A_133 = tpu.memref_slice %arg6[%arg0, %mul3A_126, %dma_wait3A_132] : memref<2x10240x64xf32, #tpu.memory_space<hbm>> -> memref<1x640x64xf32, #tpu.memory_space<hbm>>
      %dma_wait3A_134 = tpu.memref_squeeze %dma_wait3A_133 : memref<1x640x64xf32, #tpu.memory_space<hbm>> -> memref<640x64xf32, #tpu.memory_space<hbm>>
      %dma_wait3A_135 = arith.constant 0 : i32
      %dma_wait3A_136 = tpu.memref_slice %arg10[%mul3A_124, %dma_wait3A_135] : memref<10240x64xf32, #tpu.memory_space<vmem_shared>> -> memref<640x64xf32, #tpu.memory_space<vmem_shared>>
      tpu.wait_dma2 semaphore(%run_scoped3A : memref<!tpu.dma_semaphore, #tpu.memory_space<semaphore_mem>>) src(%dma_wait3A_136 : memref<640x64xf32, #tpu.memory_space<vmem_shared>>) dst(%dma_wait3A_134 : memref<640x64xf32, #tpu.memory_space<hbm>>)
      tpu.yield
    }) : () -> ()
    return
  }
}

module attributes {stable_mosaic.version = 14 : i64} {
  func.func @body(%arg0: i32, %arg1: i32, %arg2: memref<2000x128xf32, #tpu.memory_space<vmem>>, %arg3: memref<1x128x32xf32, #tpu.memory_space<vmem>>, %arg4: memref<1x2000x32xf32, #tpu.memory_space<vmem>>) attributes {dimension_semantics = [#tpu.dimension_semantics<arbitrary>, #tpu.dimension_semantics<arbitrary>], iteration_bounds = array<i64: 2, 5>, scalar_prefetch = 0 : i64, scratch_operands = 0 : i64, tpu.core_type = #tpu.core_type<tc>, window_params = [{transform_indices = @transform_0, window_bounds = array<i64: 2000, 128>}, {transform_indices = @transform_1, window_bounds = array<i64: 1, 128, 32>}, {transform_indices = @transform_2, window_bounds = array<i64: 1, 2000, 32>}]} {
    %get3A = arith.constant 0 : index
    %get3A_0 = arith.constant 0 : index
    %get3A_1 = vector.load %arg2[%get3A, %get3A_0] : memref<2000x128xf32, #tpu.memory_space<vmem>>, vector<2000x128xf32>
    %get3A_2 = arith.constant 0 : index
    %get3A_3 = arith.constant 0 : index
    %get3A_4 = arith.constant 0 : index
    %get3A_5 = vector.load %arg3[%get3A_2, %get3A_3, %get3A_4] : memref<1x128x32xf32, #tpu.memory_space<vmem>>, vector<1x128x32xf32>
    %get3A_6 = vector.shape_cast %get3A_5 : vector<1x128x32xf32> to vector<128x32xf32>
    %dot_general3A = arith.constant dense<0.000000e+00> : vector<2000x32xf32>
    %dot_general3A_7 = tpu.matmul %get3A_1, %get3A_6, %dot_general3A {dimension_numbers = #tpu.dot_dimension_numbers<[1], [0], [0], [1], [0, 0, 1, 1], [], []>, transpose_lhs_hint = false} : vector<2000x128xf32>, vector<128x32xf32>, vector<2000x32xf32> -> vector<2000x32xf32>
    %swap3A = arith.constant 0 : index
    %swap3A_8 = arith.constant 0 : index
    %swap3A_9 = arith.constant 0 : index
    %swap3A_10 = vector.load %arg4[%swap3A, %swap3A_8, %swap3A_9] : memref<1x2000x32xf32, #tpu.memory_space<vmem>>, vector<1x2000x32xf32>
    %swap3A_11 = vector.shape_cast %swap3A_10 : vector<1x2000x32xf32> to vector<2000x32xf32>
    %swap3A_12 = vector.shape_cast %dot_general3A_7 : vector<2000x32xf32> to vector<1x2000x32xf32>
    tpu.vector_store %arg4[%swap3A, %swap3A_8, %swap3A_9], %swap3A_12 {strides = array<i32>} : memref<1x2000x32xf32, #tpu.memory_space<vmem>>, vector<1x2000x32xf32>,
    return
  }
  func.func @transform_0(%arg0: i32, %arg1: i32) -> (i32, i32) {
    %c0_i32 = arith.constant 0 : i32
    %c0_i32_0 = arith.constant 0 : i32
    return %arg1, %c0_i32 : i32, i32
  }
  func.func @transform_1(%arg0: i32, %arg1: i32) -> (i32, i32, i32) {
    %c0_i32 = arith.constant 0 : i32
    %c0_i32_0 = arith.constant 0 : i32
    %c0_i32_1 = arith.constant 0 : i32
    return %arg0, %c0_i32, %c0_i32_0 : i32, i32, i32
  }
  func.func @transform_2(%arg0: i32, %arg1: i32) -> (i32, i32, i32) {
    %c0_i32 = arith.constant 0 : i32
    %c0_i32_0 = arith.constant 0 : i32
    return %arg0, %arg1, %c0_i32 : i32, i32, i32
  }
}

module attributes {stable_mosaic.version = 14 : i64} {
  func.func @body(%arg0: i32, %arg1: memref<2x2000x32xf32, #tpu.memory_space<vmem>>, %arg2: memref<2000x1xf32, #tpu.memory_space<vmem>>, %arg3: memref<2000x1xf32, #tpu.memory_space<vmem>>, %arg4: memref<2x2000x32xf32, #tpu.memory_space<vmem>>, %arg5: memref<2000x1xf32, #tpu.memory_space<vmem>>) attributes {dimension_semantics = [#tpu.dimension_semantics<arbitrary>], iteration_bounds = array<i64: 5>, scalar_prefetch = 0 : i64, scratch_operands = 0 : i64, tpu.core_type = #tpu.core_type<tc>, window_params = [{transform_indices = @transform_0, window_bounds = array<i64: 2, 2000, 32>}, {transform_indices = @transform_1, window_bounds = array<i64: 2000, 1>}, {transform_indices = @transform_2, window_bounds = array<i64: 2000, 1>}, {transform_indices = @transform_3, window_bounds = array<i64: 2, 2000, 32>}, {transform_indices = @transform_4, window_bounds = array<i64: 2000, 1>}]} {
    %get3A = arith.constant 0 : index
    %get3A_0 = arith.constant 0 : index
    %get3A_1 = vector.load %arg2[%get3A, %get3A_0] : memref<2000x1xf32, #tpu.memory_space<vmem>>, vector<2000x1xf32>
    %add3A = arith.constant 1.000000e+00 : f32
    %add3A_2 = vector.broadcast %add3A : f32 to vector<2000x1xf32>
    %add3A_3 = arith.addf %add3A_2, %get3A_1 : vector<2000x1xf32>
    %get3A_4 = arith.constant 0 : index
    %get3A_5 = arith.constant 0 : index
    %get3A_6 = vector.load %arg3[%get3A_4, %get3A_5] : memref<2000x1xf32, #tpu.memory_space<vmem>>, vector<2000x1xf32>
    %add3A_7 = arith.addf %add3A_3, %get3A_6 : vector<2000x1xf32>
    %rsqrt3A = math.rsqrt %add3A_7 : vector<2000x1xf32>
    %swap3A = arith.constant 0 : index
    %swap3A_8 = arith.constant 0 : index
    %swap3A_9 = vector.load %arg5[%swap3A, %swap3A_8] : memref<2000x1xf32, #tpu.memory_space<vmem>>, vector<2000x1xf32>
    tpu.vector_store %arg5[%swap3A, %swap3A_8], %rsqrt3A {strides = array<i32>} : memref<2000x1xf32, #tpu.memory_space<vmem>>, vector<2000x1xf32>,
    %broadcast_in_dim3A = vector.shape_cast %rsqrt3A : vector<2000x1xf32> to vector<1x2000x1xf32>
    %get3A_10 = arith.constant 0 : index
    %get3A_11 = arith.constant 0 : index
    %get3A_12 = arith.constant 0 : index
    %get3A_13 = vector.load %arg1[%get3A_10, %get3A_11, %get3A_12] : memref<2x2000x32xf32, #tpu.memory_space<vmem>>, vector<2x2000x32xf32>
    %mul3A = vector.broadcast %broadcast_in_dim3A : vector<1x2000x1xf32> to vector<2x2000x32xf32>
    %mul3A_14 = arith.mulf %mul3A, %get3A_13 : vector<2x2000x32xf32>
    %swap3A_15 = arith.constant 0 : index
    %swap3A_16 = arith.constant 0 : index
    %swap3A_17 = arith.constant 0 : index
    %swap3A_18 = vector.load %arg4[%swap3A_15, %swap3A_16, %swap3A_17] : memref<2x2000x32xf32, #tpu.memory_space<vmem>>, vector<2x2000x32xf32>
    tpu.vector_store %arg4[%swap3A_15, %swap3A_16, %swap3A_17], %mul3A_14 {strides = array<i32>} : memref<2x2000x32xf32, #tpu.memory_space<vmem>>, vector<2x2000x32xf32>,
    return
  }
  func.func @transform_0(%arg0: i32) -> (i32, i32, i32) {
    %c0_i32 = arith.constant 0 : i32
    %c0_i32_0 = arith.constant 0 : i32
    %c0_i32_1 = arith.constant 0 : i32
    return %c0_i32, %arg0, %c0_i32_0 : i32, i32, i32
  }
  func.func @transform_1(%arg0: i32) -> (i32, i32) {
    %c0_i32 = arith.constant 0 : i32
    %c0_i32_0 = arith.constant 0 : i32
    return %arg0, %c0_i32 : i32, i32
  }
  func.func @transform_2(%arg0: i32) -> (i32, i32) {
    %c0_i32 = arith.constant 0 : i32
    %c0_i32_0 = arith.constant 0 : i32
    return %arg0, %c0_i32 : i32, i32
  }
  func.func @transform_3(%arg0: i32) -> (i32, i32, i32) {
    %c0_i32 = arith.constant 0 : i32
    %c0_i32_0 = arith.constant 0 : i32
    %c0_i32_1 = arith.constant 0 : i32
    return %c0_i32, %arg0, %c0_i32_0 : i32, i32, i32
  }
  func.func @transform_4(%arg0: i32) -> (i32, i32) {
    %c0_i32 = arith.constant 0 : i32
    %c0_i32_0 = arith.constant 0 : i32
    return %arg0, %c0_i32 : i32, i32
  }
}

module attributes {stable_mosaic.version = 14 : i64} {
  func.func @body(%arg0: i32, %arg1: i32, %arg2: memref<2x2000x32xf32, #tpu.memory_space<vmem>>, %arg3: memref<2x2000x32xf32, #tpu.memory_space<vmem>>, %arg4: memref<2000x1xf32, #tpu.memory_space<vmem>>, %arg5: memref<1x64xf32, #tpu.memory_space<vmem>>, %arg6: memref<1x64x64xf32, #tpu.memory_space<vmem>>, %arg7: memref<1x2000x64xf32, #tpu.memory_space<vmem>>) attributes {dimension_semantics = [#tpu.dimension_semantics<arbitrary>, #tpu.dimension_semantics<arbitrary>], iteration_bounds = array<i64: 2, 5>, scalar_prefetch = 0 : i64, scratch_operands = 0 : i64, tpu.core_type = #tpu.core_type<tc>, window_params = [{transform_indices = @transform_0, window_bounds = array<i64: 2, 2000, 32>}, {transform_indices = @transform_1, window_bounds = array<i64: 2, 2000, 32>}, {transform_indices = @transform_2, window_bounds = array<i64: 2000, 1>}, {pipeline_mode = #tpu.pipeline_mode<synchronous>, transform_indices = @transform_3, window_bounds = array<i64: 1, 64>}, {transform_indices = @transform_4, window_bounds = array<i64: 1, 64, 64>}, {transform_indices = @transform_5, window_bounds = array<i64: 1, 2000, 64>}]} {
    %get3A = arith.constant 0 : index
    %get3A_0 = arith.constant 0 : index
    %get3A_1 = arith.constant 0 : index
    %get3A_2 = vector.load %arg2[%get3A, %get3A_0, %get3A_1] : memref<2x2000x32xf32, #tpu.memory_space<vmem>>, vector<1x2000x32xf32>
    %get3A_3 = vector.shape_cast %get3A_2 : vector<1x2000x32xf32> to vector<2000x32xf32>
    %get3A_4 = arith.constant 0 : index
    %get3A_5 = arith.constant 0 : index
    %get3A_6 = arith.constant 0 : index
    %get3A_7 = vector.load %arg3[%get3A_4, %get3A_5, %get3A_6] : memref<2x2000x32xf32, #tpu.memory_space<vmem>>, vector<1x2000x32xf32>
    %get3A_8 = vector.shape_cast %get3A_7 : vector<1x2000x32xf32> to vector<2000x32xf32>
    %add3A = arith.addf %get3A_3, %get3A_8 : vector<2000x32xf32>
    %get3A_9 = arith.constant 1 : index
    %get3A_10 = arith.constant 0 : index
    %get3A_11 = arith.constant 0 : index
    %get3A_12 = vector.load %arg2[%get3A_9, %get3A_10, %get3A_11] : memref<2x2000x32xf32, #tpu.memory_space<vmem>>, vector<1x2000x32xf32>
    %get3A_13 = vector.shape_cast %get3A_12 : vector<1x2000x32xf32> to vector<2000x32xf32>
    %get3A_14 = arith.constant 1 : index
    %get3A_15 = arith.constant 0 : index
    %get3A_16 = arith.constant 0 : index
    %get3A_17 = vector.load %arg3[%get3A_14, %get3A_15, %get3A_16] : memref<2x2000x32xf32, #tpu.memory_space<vmem>>, vector<1x2000x32xf32>
    %get3A_18 = vector.shape_cast %get3A_17 : vector<1x2000x32xf32> to vector<2000x32xf32>
    %add3A_19 = arith.addf %get3A_13, %get3A_18 : vector<2000x32xf32>
    %concatenate3A = tpu.concatenate %add3A, %add3A_19 in 1 : vector<2000x32xf32>, vector<2000x32xf32> -> vector<2000x64xf32>
    %get3A_20 = arith.constant 0 : index
    %get3A_21 = arith.constant 0 : index
    %get3A_22 = vector.load %arg4[%get3A_20, %get3A_21] : memref<2000x1xf32, #tpu.memory_space<vmem>>, vector<2000x1xf32>
    %mul3A = vector.broadcast %get3A_22 : vector<2000x1xf32> to vector<2000x64xf32>
    %mul3A_23 = arith.mulf %mul3A, %concatenate3A : vector<2000x64xf32>
    %get3A_24 = arith.constant 0 : index
    %get3A_25 = arith.constant 0 : index
    %get3A_26 = vector.load %arg5[%get3A_24, %get3A_25] : memref<1x64xf32, #tpu.memory_space<vmem>>, vector<1x64xf32>
    %add3A_27 = vector.broadcast %get3A_26 : vector<1x64xf32> to vector<2000x64xf32>
    %add3A_28 = arith.addf %mul3A_23, %add3A_27 : vector<2000x64xf32>
    %max3A = arith.constant 0.000000e+00 : f32
    %max3A_29 = vector.broadcast %max3A : f32 to vector<2000x64xf32>
    %max3A_30 = arith.maximumf %add3A_28, %max3A_29 : vector<2000x64xf32>
    %get3A_31 = arith.constant 0 : index
    %get3A_32 = arith.constant 0 : index
    %get3A_33 = vector.load %arg4[%get3A_31, %get3A_32] : memref<2000x1xf32, #tpu.memory_space<vmem>>, vector<2000x1xf32>
    %get3A_34 = arith.constant 0 : index
    %get3A_35 = arith.constant 0 : index
    %get3A_36 = arith.constant 0 : index
    %get3A_37 = vector.load %arg6[%get3A_34, %get3A_35, %get3A_36] : memref<1x64x64xf32, #tpu.memory_space<vmem>>, vector<1x64x64xf32>
    %get3A_38 = vector.shape_cast %get3A_37 : vector<1x64x64xf32> to vector<64x64xf32>
    %dot_general3A = arith.constant dense<0.000000e+00> : vector<2000x64xf32>
    %dot_general3A_39 = tpu.matmul %max3A_30, %get3A_38, %dot_general3A {dimension_numbers = #tpu.dot_dimension_numbers<[1], [0], [0], [1], [0, 0, 1, 1], [], []>, transpose_lhs_hint = false} : vector<2000x64xf32>, vector<64x64xf32>, vector<2000x64xf32> -> vector<2000x64xf32>
    %mul3A_40 = vector.broadcast %get3A_33 : vector<2000x1xf32> to vector<2000x64xf32>
    %mul3A_41 = arith.mulf %mul3A_40, %dot_general3A_39 : vector<2000x64xf32>
    %swap3A = arith.constant 0 : index
    %swap3A_42 = arith.constant 0 : index
    %swap3A_43 = arith.constant 0 : index
    %swap3A_44 = vector.load %arg7[%swap3A, %swap3A_42, %swap3A_43] : memref<1x2000x64xf32, #tpu.memory_space<vmem>>, vector<1x2000x64xf32>
    %swap3A_45 = vector.shape_cast %swap3A_44 : vector<1x2000x64xf32> to vector<2000x64xf32>
    %swap3A_46 = vector.shape_cast %mul3A_41 : vector<2000x64xf32> to vector<1x2000x64xf32>
    tpu.vector_store %arg7[%swap3A, %swap3A_42, %swap3A_43], %swap3A_46 {strides = array<i32>} : memref<1x2000x64xf32, #tpu.memory_space<vmem>>, vector<1x2000x64xf32>,
    return
  }
  func.func @transform_0(%arg0: i32, %arg1: i32) -> (i32, i32, i32) {
    %c0_i32 = arith.constant 0 : i32
    %c0_i32_0 = arith.constant 0 : i32
    %c0_i32_1 = arith.constant 0 : i32
    return %c0_i32, %arg1, %c0_i32_0 : i32, i32, i32
  }
  func.func @transform_1(%arg0: i32, %arg1: i32) -> (i32, i32, i32) {
    %c0_i32 = arith.constant 0 : i32
    %c0_i32_0 = arith.constant 0 : i32
    %c0_i32_1 = arith.constant 0 : i32
    return %c0_i32, %arg1, %c0_i32_0 : i32, i32, i32
  }
  func.func @transform_2(%arg0: i32, %arg1: i32) -> (i32, i32) {
    %c0_i32 = arith.constant 0 : i32
    %c0_i32_0 = arith.constant 0 : i32
    return %arg1, %c0_i32 : i32, i32
  }
  func.func @transform_3(%arg0: i32, %arg1: i32) -> (i32, i32) {
    %c0_i32 = arith.constant 0 : i32
    %c0_i32_0 = arith.constant 0 : i32
    %c0_i32_1 = arith.constant 0 : i32
    return %c0_i32, %c0_i32_0 : i32, i32
  }
  func.func @transform_4(%arg0: i32, %arg1: i32) -> (i32, i32, i32) {
    %c0_i32 = arith.constant 0 : i32
    %c0_i32_0 = arith.constant 0 : i32
    %c0_i32_1 = arith.constant 0 : i32
    return %arg0, %c0_i32, %c0_i32_0 : i32, i32, i32
  }
  func.func @transform_5(%arg0: i32, %arg1: i32) -> (i32, i32, i32) {
    %c0_i32 = arith.constant 0 : i32
    %c0_i32_0 = arith.constant 0 : i32
    return %arg0, %arg1, %c0_i32 : i32, i32, i32
  }
}

module attributes {stable_mosaic.version = 14 : i64} {
  func.func @body(%arg0: i32, %arg1: memref<2x2000x64xf32, #tpu.memory_space<vmem>>, %arg2: memref<2x2000x64xf32, #tpu.memory_space<vmem>>, %arg3: memref<2000x1xf32, #tpu.memory_space<vmem>>, %arg4: memref<1x128xf32, #tpu.memory_space<vmem>>, %arg5: memref<2000x128xf32, #tpu.memory_space<vmem>>) attributes {dimension_semantics = [#tpu.dimension_semantics<arbitrary>], iteration_bounds = array<i64: 5>, scalar_prefetch = 0 : i64, scratch_operands = 0 : i64, tpu.core_type = #tpu.core_type<tc>, window_params = [{transform_indices = @transform_0, window_bounds = array<i64: 2, 2000, 64>}, {transform_indices = @transform_1, window_bounds = array<i64: 2, 2000, 64>}, {transform_indices = @transform_2, window_bounds = array<i64: 2000, 1>}, {pipeline_mode = #tpu.pipeline_mode<synchronous>, transform_indices = @transform_3, window_bounds = array<i64: 1, 128>}, {transform_indices = @transform_4, window_bounds = array<i64: 2000, 128>}]} {
    %get3A = arith.constant 0 : index
    %get3A_0 = arith.constant 0 : index
    %get3A_1 = arith.constant 0 : index
    %get3A_2 = vector.load %arg1[%get3A, %get3A_0, %get3A_1] : memref<2x2000x64xf32, #tpu.memory_space<vmem>>, vector<1x2000x64xf32>
    %get3A_3 = vector.shape_cast %get3A_2 : vector<1x2000x64xf32> to vector<2000x64xf32>
    %get3A_4 = arith.constant 0 : index
    %get3A_5 = arith.constant 0 : index
    %get3A_6 = arith.constant 0 : index
    %get3A_7 = vector.load %arg2[%get3A_4, %get3A_5, %get3A_6] : memref<2x2000x64xf32, #tpu.memory_space<vmem>>, vector<1x2000x64xf32>
    %get3A_8 = vector.shape_cast %get3A_7 : vector<1x2000x64xf32> to vector<2000x64xf32>
    %add3A = arith.addf %get3A_3, %get3A_8 : vector<2000x64xf32>
    %get3A_9 = arith.constant 1 : index
    %get3A_10 = arith.constant 0 : index
    %get3A_11 = arith.constant 0 : index
    %get3A_12 = vector.load %arg1[%get3A_9, %get3A_10, %get3A_11] : memref<2x2000x64xf32, #tpu.memory_space<vmem>>, vector<1x2000x64xf32>
    %get3A_13 = vector.shape_cast %get3A_12 : vector<1x2000x64xf32> to vector<2000x64xf32>
    %get3A_14 = arith.constant 1 : index
    %get3A_15 = arith.constant 0 : index
    %get3A_16 = arith.constant 0 : index
    %get3A_17 = vector.load %arg2[%get3A_14, %get3A_15, %get3A_16] : memref<2x2000x64xf32, #tpu.memory_space<vmem>>, vector<1x2000x64xf32>
    %get3A_18 = vector.shape_cast %get3A_17 : vector<1x2000x64xf32> to vector<2000x64xf32>
    %add3A_19 = arith.addf %get3A_13, %get3A_18 : vector<2000x64xf32>
    %concatenate3A = tpu.concatenate %add3A, %add3A_19 in 1 : vector<2000x64xf32>, vector<2000x64xf32> -> vector<2000x128xf32>
    %get3A_20 = arith.constant 0 : index
    %get3A_21 = arith.constant 0 : index
    %get3A_22 = vector.load %arg3[%get3A_20, %get3A_21] : memref<2000x1xf32, #tpu.memory_space<vmem>>, vector<2000x1xf32>
    %mul3A = vector.broadcast %get3A_22 : vector<2000x1xf32> to vector<2000x128xf32>
    %mul3A_23 = arith.mulf %mul3A, %concatenate3A : vector<2000x128xf32>
    %get3A_24 = arith.constant 0 : index
    %get3A_25 = arith.constant 0 : index
    %get3A_26 = vector.load %arg4[%get3A_24, %get3A_25] : memref<1x128xf32, #tpu.memory_space<vmem>>, vector<1x128xf32>
    %add3A_27 = vector.broadcast %get3A_26 : vector<1x128xf32> to vector<2000x128xf32>
    %add3A_28 = arith.addf %mul3A_23, %add3A_27 : vector<2000x128xf32>
    %swap3A = arith.constant 0 : index
    %swap3A_29 = arith.constant 0 : index
    %swap3A_30 = vector.load %arg5[%swap3A, %swap3A_29] : memref<2000x128xf32, #tpu.memory_space<vmem>>, vector<2000x128xf32>
    tpu.vector_store %arg5[%swap3A, %swap3A_29], %add3A_28 {strides = array<i32>} : memref<2000x128xf32, #tpu.memory_space<vmem>>, vector<2000x128xf32>,
    return
  }
  func.func @transform_0(%arg0: i32) -> (i32, i32, i32) {
    %c0_i32 = arith.constant 0 : i32
    %c0_i32_0 = arith.constant 0 : i32
    %c0_i32_1 = arith.constant 0 : i32
    return %c0_i32, %arg0, %c0_i32_0 : i32, i32, i32
  }
  func.func @transform_1(%arg0: i32) -> (i32, i32, i32) {
    %c0_i32 = arith.constant 0 : i32
    %c0_i32_0 = arith.constant 0 : i32
    %c0_i32_1 = arith.constant 0 : i32
    return %c0_i32, %arg0, %c0_i32_0 : i32, i32, i32
  }
  func.func @transform_2(%arg0: i32) -> (i32, i32) {
    %c0_i32 = arith.constant 0 : i32
    %c0_i32_0 = arith.constant 0 : i32
    return %arg0, %c0_i32 : i32, i32
  }
  func.func @transform_3(%arg0: i32) -> (i32, i32) {
    %c0_i32 = arith.constant 0 : i32
    %c0_i32_0 = arith.constant 0 : i32
    %c0_i32_1 = arith.constant 0 : i32
    return %c0_i32, %c0_i32_0 : i32, i32
  }
  func.func @transform_4(%arg0: i32) -> (i32, i32) {
    %c0_i32 = arith.constant 0 : i32
    %c0_i32_0 = arith.constant 0 : i32
    return %arg0, %c0_i32 : i32, i32
  }
}

</mosaic_0001>

<sc_bundles>
// kernel: kernel.12.cloned.1.call-start
scs
__scs_entry_jumppad:
0x0: {  	(pc) =	sbr.rel $0x88, $3  }
0x1: {  	(tag) =	ssettag $0x0;
	lr =	simm.s32 $0x1  }
0x2: {  	[smem:$0x3F9B] =	sst lr;
	_ =	strace $0xD0000000  }
0x3: {  	_ = 	snop  }
0x4: {  	_ = 	snop  }
0x5: {  	_ = 	snop  }
0x6: {  	_ = 	snop  }
0x7: {  	_ = 	snop  }
__scs_overlays_trampoline_lowered:
0x8: {  	[smem:$0x3FAA] =	sst s0  }
0x9: {  	[smem:$0x3FAB] =	sst s1  }
0xa: {  	[smem:$0x3FAC] =	sst s2  }
0xb: {  	[smem:$0x3FAD] =	sst s3  }
0xc: {  	[smem:$0x3FAE] =	sst s4  }
0xd: {  	[smem:$0x3FAF] =	sst s5  }
0xe: {  	[smem:$0x3FB0] =	sst s6  }
0xf: {  	[smem:$0x3FB1] =	sst s7  }
0x10: {  	[smem:$0x3FB2] =	sst s8  }
0x11: {  	[smem:$0x3FB3] =	sst s9;
	s0 =	simm.s32 @!p0 $0x0  }
0x12: {  	s1 =	sld [smem:$0x3F99];
	s0 =	simm.s32 @p0 $0x1  }
0x13: {  	[smem:$0x3FB4] =	sst s0;
	s0 =	simm.s32 @!p1 $0x0  }
0x14: {  	s2 =	sld [smem:$0x3F98];
	s0 =	simm.s32 @p1 $0x1  }
0x15: {  	[smem:$0x3FB5] =	sst s0;
	s0 =	simm.s32 @!p2 $0x0  }
0x16: {  	s3 =	sld [smem:$0x3FDB];
	s0 =	simm.s32 @p2 $0x1  }
0x17: {  	s4 =	simm.s32 $0x1BF5;
	[smem:$0x3FB7] =	sst s0  }
0x18: {  	s0 =	sld [smem:$0x3F9A];
	_ =	swait.ge [sflag:s4], $0x0  }
0x19: {  	s7 =	sld [smem:$0x3F9B]  }
0x1a: {  	s8 =	sadd.s32 $0xFFFFE003, lr  }
0x1b: {  	s9 =	sadd.s32 $0xFFFFFEF7, lr;
	s5 =	simm.s32 $0xFFFFFFFF;
	p2 =	slt.u32 s8, $0xFFFFF086  }
0x1c: {  	p1 =	slt.u32 s9, $0xF7A;
	s5 =	simm.s32 @!p2 $0x0  }
0x1d: {  	s5 =	simm.s32 @p1 $0x1;
	p0 =	seq.s32 s7, s2  }
0x1e: {  	s7 =	smul.u32 @!p0 $0xF7A, s2;
	p2 =	seq.s32 @!p0 s5, $0x0  }
0x1f: {  	s9 =	smul.u32 $0xF7A, s1;
	s8 =	simm.s32 @!p0 $0x1BF5;
	p2 =	por !p2, p0  }
0x20: {  	[sflag:s8] =	ssyncset.s32 @!p0 $0xFFFFF086;
	s6 =	sadd.s32 @!p0 s3, s7;
	s7 =	simm.s32 @!p0 $0x108  }
0x21: {  	s3 =	sadd.s32 s3, s9;
	s6 =	sadd.s32 @!p0 $0x88, s6;
	s7 =	simm.s32 @p2 $0x1082  }
0x22: {  	[simem:s7], [sflag:s8] =	dma.local @!p0 [hbm:s6], $0xF7A  }
0x23: {  	s9 =	sor.u32 $0xD0000000, s2;
	s6 =	simm.s32 $0x108;
	_ =	swait.ge @!p0 [sflag:s8], $0x0  }
0x24: {  	s3 =	sadd.s32 $0x88, s3;
	s6 =	simm.s32 @!p1 $0x1082;
	[sflag:s4] =	ssyncset.s32 $0xFFFFF086  }
0x25: {  	[simem:s6], [sflag:s4] =	dma.local [hbm:s3], $0xF7A  }
0x26: {  	[smem:$0x3F9B] =	sst s1;
	(tag) =	ssettag s2;
	_ =	strace s9  }
0x27: {  	s1 =	sld [smem:$0x3FAB]  }
0x28: {  	s2 =	sld [smem:$0x3FAC]  }
0x29: {  	s4 =	sld [smem:$0x3FAE]  }
0x2a: {  	p0 =	seq.s32 s5, $0x0;
	s5 =	sld [smem:$0x3FAF]  }
0x2b: {  	s6 =	sld [smem:$0x3FB0]  }
0x2c: {  	s7 =	sld [smem:$0x3FB1]  }
0x2d: {  	s3 =	simm.s32 $0x108;
	s8 =	sld [smem:$0x3FB2]  }
0x2e: {  	s3 =	simm.s32 @!p0 $0x1082;
	s9 =	sld [smem:$0x3FB3]  }
0x2f: {  	lr =	sadd.s32 s0, s3;
	s0 =	sld [smem:$0x3FAA]  }
0x30: {  	s3 =	sld [smem:$0x3FAD]  }
0x31: {  	[smem:$0x3FB6] =	sst s10  }
0x32: {  	s10 =	sld [smem:$0x3FB4];
	_ =	sdelay $0x3  }
0x33: {  	p0 =	seq.s32 s10, $0x1;
	s10 =	sld [smem:$0x3FB6];
	_ =	sdelay $0x3  }
0x34: {  	[smem:$0x3FB6] =	sst s10  }
0x35: {  	s10 =	sld [smem:$0x3FB5];
	_ =	sdelay $0x3  }
0x36: {  	p1 =	seq.s32 s10, $0x1;
	s10 =	sld [smem:$0x3FB6];
	_ =	sdelay $0x3  }
0x37: {  	[smem:$0x3FB6] =	sst s10  }
0x38: {  	s10 =	sld [smem:$0x3FB7]  }
0x39: {  	_ = 	snop;
	(pc) =	sbr.ind lr, $3  }
0x3a: {  	_ = 	snop  }
0x3b: {  	_ = 	snop  }
0x3c: {  	p2 =	seq.s32 s10, $0x1;
	s10 =	sld [smem:$0x3FB6]  }
0x3d: {  	_ =	shalt  }
0x3e: {  	_ =	shalt  }
0x3f: {  	_ =	shalt  }
0x40: {  	_ =	shalt  }
0x41: {  	_ =	shalt  }
0x42: {  	_ =	shalt  }
0x43: {  	_ =	shalt  }
0x44: {  	_ =	shalt  }
0x45: {  	_ =	shalt  }
0x46: {  	_ =	shalt  }
0x47: {  	_ =	shalt  }
0x48: {  	_ =	shalt  }
0x49: {  	_ =	shalt  }
0x4a: {  	_ =	shalt  }
0x4b: {  	_ =	shalt  }
0x4c: {  	_ =	shalt  }
0x4d: {  	_ =	shalt  }
0x4e: {  	_ =	shalt  }
0x4f: {  	_ =	shalt  }
0x50: {  	_ =	shalt  }
0x51: {  	_ =	shalt  }
0x52: {  	_ =	shalt  }
0x53: {  	_ =	shalt  }
0x54: {  	_ =	shalt  }
0x55: {  	_ =	shalt  }
0x56: {  	_ =	shalt  }
0x57: {  	_ =	shalt  }
0x58: {  	_ =	shalt  }
0x59: {  	_ =	shalt  }
0x5a: {  	_ =	shalt  }
0x5b: {  	_ =	shalt  }
0x5c: {  	_ =	shalt  }
0x5d: {  	_ =	shalt  }
0x5e: {  	_ =	shalt  }
0x5f: {  	_ =	shalt  }
0x60: {  	_ =	shalt  }
0x61: {  	_ =	shalt  }
0x62: {  	_ =	shalt  }
0x63: {  	_ =	shalt  }
0x64: {  	_ =	shalt  }
0x65: {  	_ =	shalt  }
0x66: {  	_ =	shalt  }
0x67: {  	_ =	shalt  }
0x68: {  	_ =	shalt  }
0x69: {  	_ =	shalt  }
0x6a: {  	_ =	shalt  }
0x6b: {  	_ =	shalt  }
0x6c: {  	_ =	shalt  }
0x6d: {  	_ =	shalt  }
0x6e: {  	_ =	shalt  }
0x6f: {  	_ =	shalt  }
0x70: {  	_ =	shalt  }
0x71: {  	_ =	shalt  }
0x72: {  	_ =	shalt  }
0x73: {  	_ =	shalt  }
0x74: {  	_ =	shalt  }
0x75: {  	_ =	shalt  }
0x76: {  	_ =	shalt  }
0x77: {  	_ =	shalt  }
0x78: {  	_ =	shalt  }
0x79: {  	_ =	shalt  }
0x7a: {  	_ =	shalt  }
0x7b: {  	_ =	shalt  }
0x7c: {  	_ =	shalt  }
0x7d: {  	_ =	shalt  }
0x7e: {  	_ =	shalt  }
0x7f: {  	_ =	shalt  }
0x80: {  	_ =	shalt  }
0x81: {  	_ =	shalt  }
0x82: {  	_ =	shalt  }
0x83: {  	_ =	shalt  }
0x84: {  	_ =	shalt  }
0x85: {  	_ =	shalt  }
0x86: {  	_ =	shalt  }
0x87: {  	_ =	shalt  }
.Lfunc_end0:
.L_simem_size_0:
called_computation.1_lowered:
.L_overlay_start_0:
0x88: {  	s2 =	sld [smem:$0x3FD9]  }
0x89: {  	s3 =	sld [smem:$0x3FFE];
	_ =	sdelay $0x1  }
0x8a: {  	s1 =	srdreg.scid  }
0x8b: {  	s0 =	sand.u32 $0x1, s1  }
0x8c: {  	s17 =	sshll.u32 s0, $0xA;
	s2 =	sadd.s32 s3, s2  }
0x8d: {  	s2 =	sadd.s32 s2, s17  }
0x8e: {  	[smem:$0x3FC2] =	sst s2  }
0x8f: {  	_ = 	snop  }
0x90: {  	s2 =	sld [smem:$0x3FD0];
	(tm) =	ssettm $0x1  }
0x91: {  	s18 =	sld [smem:$0x3FFB];
	_ =	sdelay $0x3  }
0x92: {  	_ =	strace s18  }
0x93: {  	s3 =	sld [smem:$0x3FFC];
	_ =	sdelay $0x3  }
0x94: {  	_ =	strace s3  }
0x95: {  	s3 =	sld [smem:$0x3FFD];
	_ =	sdelay $0x3  }
0x96: {  	_ =	strace s3  }
0x97: {  	_ =	strace $0x8FFFFFFF  }
0x98: {  	s19 =	sld [smem:$0x3FDB];
	_ =	sdelay $0x1  }
0x99: {  	s4 =	simm.s32 $_scs_section_size  }
0x9a: {  	s5 =	simm.s32 $_size__tile_overlayer_lowered;
	s6 =	simm.s32 $_tile_overlayer_lowered  }
0x9b: {  	s22 =	simm.s32 $0x1BFF;
	s21 =	sshll.u32 s6, $0x1;
	s3 =	sadd.s32 s4, s19  }
0x9c: {  	s7 =	simm.s32 $0x0;
	s20 =	sshll.u32 s5, $0x1;
	s5 =	sadd.s32 s21, s3  }
0x9d: {  	[timem:s7], [sflag:s22] =	dma.local [hbm:s5], s20  }
0x9e: {  	_ =	swait.ge [sflag:s22], s20  }
0x9f: {  	s4 =	ssub.s32 $0x0, s20;
	[sflag:s22] =	ssyncset.done $0x0  }
0xa0: {  	[sflag:s22] =	ssyncadd.s32 s4;
	_ =	sdelay $0x1  }
0xa1: {  	s23 =	simm.s32 $0x1B8B  }
0xa2: {  	_ =	swait.ge [sflag:s23], $0x1  }
0xa3: {  	[sflag:s23] =	ssyncset.done $0x0  }
0xa4: {  	s25 =	simm.s32 $0x1B8E;
	s24 =	sld [smem:$0x3FFE];
	[sflag:s23] =	ssyncadd.s32 $0xFFFFFFFF  }
0xa5: {  	s26 =	simm.s32 $execute0_lowered;
	[smem:$0x3FD2] =	sst s25  }
0xa6: {  	s5 =	sshll.u32 s26, $0x1;
	_ =	strace $0x80000049;
	[dreg:$0x1] =	wrdreg $0xFFFFFFFF  }
0xa7: {  	s28 =	simm.s32 $_size_execute0_lowered;
	s3 =	sadd.s32 s3, s5;
	[dreg:$0x0] =	wrdreg $0x0  }
0xa8: {  	s5 =	sshll.u32 s28, $0x1;
	[dreg:$0x2] =	wrdreg s3  }
0xa9: {  	[dreg:$0x3] =	wrdreg s5  }
0xaa: {  	[dreg:$0x4] =	wrdreg $0xC0  }
0xab: {  	_ =	task [dreg:s7], $0x5FFFF  }
0xac: {  	[dreg:$0x1] =	wrdreg $0xFFFFFFFF  }
0xad: {  	[dreg:$0x0] =	wrdreg $0x60  }
0xae: {  	[dreg:$0x2] =	wrdreg s24  }
0xaf: {  	[dreg:$0x3] =	wrdreg s2  }
0xb0: {  	[dreg:$0x4] =	wrdreg $0x11D000  }
0xb1: {  	[dreg:$0x5] =	wrdreg $0x9  }
0xb2: {  	_ =	task.clear_ibuf [dreg:s7], $0x6FFFF;
	_ =	strace $0x90000049  }
0xb3: {  	s29 =	simm.s32 $0x9;
	_ =	strace $0x8000004B  }
0xb4: {  	_ =	swait.ge [sflag:s29], $0x1  }
0xb5: {  	[sflag:s29] =	ssyncadd.s32 $0xFFFFFFFF  }
0xb6: {  	_ =	strace $0x9000004B  }
0xb7: {  	_ =	sfence  }
0xb8: {  	s30 =	sld [smem:$0x0];
	_ =	sdelay $0x2  }
0xb9: {  	s31 =	sshll.u32 s1, $0xD;
	s1 =	sshrl.u32 s1, $0x2  }
0xba: {  	s3 =	sand.u32 $0x4000, s31;
	s1 =	sadd.s32 s1, s30  }
0xbb: {  	s0 =	sor.u32 s3, s0;
	s1 =	sshll.u32 s1, $0x11  }
0xbc: {  	s0 =	sor.u32 s1, s0  }
0xbd: {  	s0 =	sadd.s32 $0x8F2B, s0  }
0xbe: {  	[sflag:s0] =	ssyncadd.remote.s32 $0x1  }
0xbf: {  	_ =	sfence.sel $0xFFFF  }
0xc0: {  	[dreg:$0x0] =	wrdreg $0xFFFFFFFF;
	(pc) =	sbr.abs _section_cstart, $3  }
0xc1: {  	[dreg:$0x1] =	wrdreg $0xFFFFFFFF  }
0xc2: {  	_ =	task.clear_ibuf [dreg:s7], $0x2FFFF;
	_ =	strace $0x9FFFFFFF  }
0xc3: {  	(tm) =	ssettm $0x7FFFFFFF  }
tec
execute0_lowered:
.L_overlay_start_1:
0x0: {  	(tag) =	ssettag $0x1  }
0x1: {  	s0 =	rddreg [dreg:$0x0]  }
0x2: {  	s1 =	rddreg [dreg:$0x1];
	s3 =	srdreg.scid  }
0x3: {  	s2 =	rddreg [dreg:$0x2];
	s12 =	stileid.u32  }
0x4: {  	s14 =	simm.s32 $0x3;
	s15 =	simm.s32 $0x80;
	s16 =	simm.s32 $0x9D00  }
0x5: {  	s17 =	simm.s32 $0xAD00;
	s28 =	simm.s32 $0x4F00;
	s29 =	simm.s32 $0x300  }
0x6: {  	s30 =	simm.s32 $0xFD00;
	s31 =	simm.s32 $0x2;
	s6 =	smul.u32 $0x9D0, s12  }
0x7: {  	s4 =	sand.u32 $0x1, s3;
	s3 =	simm.s32 $0x0;
	s7 =	smul.u32 $0x5000, s12  }
0x8: {  	s5 =	smul.u32 $0x9C40, s4;
	[smem:$0x7FF] =	sst s3;
	s8 =	ssub.s32 $0x2, s4  }
0x9: {  	s10 =	smul.u32 $0x50000, s4;
	_ =	strace $0x8000004A;
	s23 =	sadd.s32 s6, s0  }
0xa: {  	s24 =	sshrl.u32 s7, $0x3;
	s25 =	sshrl.u32 s8, $0x1;
	s13 =	sadd.s32 s7, s2  }
0xb: {  	s6 =	sshll.u32 s12, $0x6;
	s12 =	simm.s32 $0x4E80;
	s9 =	sadd.s32 s5, s0  }
0xc: {  	s0 =	sadd.s32 s24, s0;
	s11 =	ssub.s32 s8, s25;
	s4 =	sadd.s32 $0x5A000, s23  }
0xd: {  	s5 =	sadd.s32 $0x1A00, s23;
	s10 =	sadd.s32 s7, s10;
	s8 =	sor.u32 $0x1C03, s6  }
0xe: {  	s13 =	sshrl.u32 s13, $0x3;
	s24 =	simm.s32 $0x1;
	s7 =	sadd.s32 $0x1F200, s0  }
0xf: {  	s26 =	sshrl.u32 s10, $0x3;
	s9 =	sadd.s32 $0xB800, s9;
	s11 =	smax.u32 s11, $0x1  }
0x10: {  	s0 =	simm.s32 $0x4;
	s10 =	sadd.s32 s1, s26;
	s1 =	simm.s32 $0x0  }
.LBB2_1:
0x11: {  	[tilespmem:s3], [sflag:$0x3] =	stream.linear.gather [hbm4b:s4+s3], $0x4E80, $0x38;
	[tilespmem:$0x16D00] =	vst v63  }
0x12: {  	_ = 	snop  }
0x13: {  	[tilespmem:s12], [sflag:$0x3] =	stream.linear.gather [hbm4b:s5+s3], $0x4E80, $0x38;
	[tilespmem:$0x16D00] =	vst v63  }
0x14: {  	[spmem:s13], [sflag:s8] =	dma.local [hbm:s7], $0xA00  }
0x15: {  	_ =	swait.ge [sflag:s14], $0x4E80  }
0x16: {  	[sflag:s14] =	ssyncset.done $0x0  }
0x17: {  	[sflag:s14] =	ssyncadd.s32 $0xFFFFB180  }
0x18: {  	_ =	swait.ge [sflag:s14], $0x4E80  }
0x19: {  	[sflag:s14] =	ssyncset.done $0x0  }
0x1a: {  	[sflag:s14] =	ssyncadd.s32 $0xFFFFB180  }
0x1b: {  	_ =	swait.ge [sflag:s14], $0xA00  }
0x1c: {  	[sflag:s14] =	ssyncset.done $0x0  }
0x1d: {  	[sflag:s14] =	ssyncadd.s32 $0xFFFFF600  }
0x1e: {  	[bflag:$0x0] =	sbarrier.arrive $0xFFFF  }
0x1f: {  	[tilespmem:s16], [sflag:$0x1] =	stream.indirect.gather [hbm4b:s9+s15], $0x20, s3, s15, $0xb8;
	[tilespmem:$0x16D00] =	vst v63  }
0x20: {  	_ = 	snop  }
0x21: {  	[tilespmem:s17], [sflag:$0x1] =	stream.indirect.gather [hbm4b:s9+s15], $0x20, s15, s15, $0xb8;
	[tilespmem:$0x16D00] =	vst v63  }
0x22: {  	s18 =	simm.s32 $0x100;
	s19 =	simm.s32 $0xBD00  }
0x23: {  	[tilespmem:s19], [sflag:$0x1] =	stream.indirect.gather [hbm4b:s9+s15], $0x20, s18, s15, $0xb8;
	[tilespmem:$0x16D00] =	vst v63  }
0x24: {  	s20 =	simm.s32 $0xCD00;
	s19 =	simm.s32 $0x180  }
0x25: {  	[tilespmem:s20], [sflag:$0x1] =	stream.indirect.gather [hbm4b:s9+s15], $0x20, s19, s15, $0xb8;
	[tilespmem:$0x16D00] =	vst v63  }
0x26: {  	s21 =	simm.s32 $0x200;
	s22 =	simm.s32 $0xDD00  }
0x27: {  	[tilespmem:s22], [sflag:$0x1] =	stream.indirect.gather [hbm4b:s9+s15], $0x20, s21, s15, $0xb8;
	[tilespmem:$0x16D00] =	vst v63  }
0x28: {  	_ =	swait.ge [sflag:s24], $0x1000  }
0x29: {  	[sflag:s24] =	ssyncset.done $0x0  }
0x2a: {  	[sflag:s24] =	ssyncadd.s32 $0xFFFFF000  }
0x2b: {  	[spmem:s2] =	stream.indirect.scatter.add.f32 [tilespmem:s16], [sflag:$0x2], $0x20, s12, s15, $0xb8;
	[tilespmem:$0x16D00] =	vst v63  }
0x2c: {  	s23 =	simm.s32 $0x280;
	s25 =	simm.s32 $0xED00  }
0x2d: {  	[tilespmem:s25], [sflag:$0x1] =	stream.indirect.gather [hbm4b:s9+s15], $0x20, s23, s15, $0xb8;
	[tilespmem:$0x16D00] =	vst v63  }
0x2e: {  	_ =	swait.ge [sflag:s24], $0x1000  }
0x2f: {  	[sflag:s24] =	ssyncset.done $0x0  }
0x30: {  	s26 =	simm.s32 $0x8000;
	[sflag:s24] =	ssyncadd.s32 $0xFFFFF000  }
0x31: {  	[spmem:s2] =	stream.indirect.scatter.add.f32 [tilespmem:s17], [sflag:$0x2], $0x20, s28, s15, $0xb8;
	[tilespmem:$0x16D00] =	vst v63  }
0x32: {  	p0 =	por $0x0, $0x0;
	s18 =	simm.s32 $0x380;
	s20 =	sand.u32 $0x1C000, s26  }
0x33: {  	[tilespmem:s30], [sflag:$0x1] =	stream.indirect.gather [hbm4b:s9+s15], $0x20, s29, s15, $0xb8;
	[tilespmem:$0x16D00] =	vst v63  }
0x34: {  	s19 =	simm.s32 $0x3;
	s21 =	simm.s32 $0x1C000;
	_ =	swait.ge [sflag:s24], $0x1000  }
0x35: {  	s22 =	simm.s32 $0x4F80;
	s23 =	sshrl.u32 s20, $0x2;
	[sflag:s24] =	ssyncset.done $0x0  }
0x36: {  	s20 =	simm.s32 $0x5000;
	s23 =	sadd.s32 $0x9D00, s23;
	[sflag:s24] =	ssyncadd.s32 $0xFFFFF000  }
0x37: {  	[spmem:s2] =	stream.indirect.scatter.add.f32 [tilespmem:s23], [sflag:$0x2], $0x20, s22, s15, $0xb8;
	[tilespmem:$0x16D00] =	vst v63  }
0x38: {  	s25 =	simm.s32 @!p0 $0x80;
	s22 =	sand.u32 @!p0 $0x1C000, s21;
	_ =	swait.ge [sflag:s31], $0x1000  }
0x39: {  	s21 =	simm.s32 $0x400;
	s23 =	sshrl.u32 @!p0 s22, $0x2;
	[sflag:s31] =	ssyncset.done $0x0  }
0x3a: {  	s22 =	simm.s32 $0x20000;
	s23 =	sadd.s32 @!p0 $0x9D00, s23;
	[sflag:s31] =	ssyncadd.s32 $0xFFFFF000  }
.LBB2_2:
0x3b: {  	[tilespmem:s23], [sflag:$0x1] =	stream.indirect.gather @!p0 [hbm4b:s9+s25], $0x20, s18, s25, $0xb8;
	[tilespmem:$0x16D00] =	vst v63  }
0x3c: {  	s23 =	smov.u32 s19;
	s25 =	smov.u32 s20;
	s18 =	smov.u32 s21  }
0x3d: {  	s26 =	sadd.s32 $0xFFFEC000, s22;
	s19 =	sadd.s32 $0x1, s19;
	_ =	swait.ge [sflag:s24], $0x1000  }
0x3e: {  	s26 =	sand.u32 $0x1C000, s26;
	p1 =	sne.s32 s19, $0x9D;
	[sflag:s24] =	ssyncset.done $0x0  }
0x3f: {  	s20 =	sadd.s32 $0x80, s20;
	s26 =	sshrl.u32 s26, $0x2;
	[sflag:s24] =	ssyncadd.s32 $0xFFFFF000  }
.Ltmp0:
0x40: {  	p0 =	sgt.u32 s23, $0x97;
	s26 =	sadd.s32 $0x9D00, s26;
	(pc) =	sbr.rel @p1 .LBB2_2-.Ltmp0, $4  }
0x41: {  	[spmem:s2] =	stream.indirect.scatter.add.f32 [tilespmem:s26], [sflag:$0x2], $0x20, s25, s15, $0xb8;
	[tilespmem:$0x16D00] =	vst v63  }
0x42: {  	s21 =	sadd.s32 $0x80, s21;
	s23 =	sand.u32 @!p0 $0x1C000, s22;
	_ =	swait.ge [sflag:s31], $0x1000  }
0x43: {  	s22 =	sadd.s32 $0x4000, s22;
	s23 =	sshrl.u32 @!p0 s23, $0x2;
	[sflag:s31] =	ssyncset.done $0x0  }
0x44: {  	s23 =	sadd.s32 @!p0 $0x9D00, s23;
	s25 =	simm.s32 @!p0 $0x80;
	[sflag:s31] =	ssyncadd.s32 $0xFFFFF000  }
0x45: {  	[tilespmem:s23], [sflag:$0x1] =	stream.indirect.gather @!p0 [hbm4b:s9+s25], $0x20, s18, s25, $0xb8;
	[tilespmem:$0x16D00] =	vst v63  }
0x46: {  	_ =	swait.ge [sflag:s31], $0x1000  }
0x47: {  	[sflag:s31] =	ssyncset.done $0x0  }
0x48: {  	[sflag:s31] =	ssyncadd.s32 $0xFFFFF000  }
0x49: {  	_ =	swait.ge [sflag:s31], $0x1000  }
0x4a: {  	s1 =	sadd.s32 $0x1, s1;
	[sflag:s31] =	ssyncset.done $0x0  }
0x4b: {  	p0 =	sne.s32 s1, s11;
	[sflag:s31] =	ssyncadd.s32 $0xFFFFF000  }
.Ltmp1:
0x4c: {  	s26 =	sor.u32 $0x1C04, s6;
	[bflag:$0x0] =	sbarrier.arrive $0xFFFF;
	(pc) =	sbr.rel @p0 .LBB2_1-.Ltmp1, $4  }
0x4d: {  	[hbm:s10], [sflag:s26] =	dma.local [spmem:s13], $0xA00  }
0x4e: {  	_ =	swait.ge [sflag:s0], $0xA00  }
0x4f: {  	[sflag:s0] =	ssyncset.done $0x0  }
0x50: {  	[sflag:s0] =	ssyncadd.s32 $0xFFFFF600  }
0x51: {  	_ =	sfence.sel $0x180000  }
0x52: {  	[bflag:$0x0] =	sbarrier.arrive $0xFFFF  }
0x53: {  	_ =	strace $0x9000004A  }
0x54: {  	s0 =	stileid.u32;
	[bflag:$0x2] =	sbarrier.arrive $0xFFFF  }
0x55: {  	p0 =	sne.s32 s0, $0x0;
	s0 =	rddreg [dreg:$0x3]  }
0x56: {  	s0 =	sadd.s32 @!p0 $0x100000, s0  }
0x57: {  	[sflag:s0] =	ssyncadd.tile.s32 @!p0 $0x1;
	_ =	shalt  }
.Lfunc_end2:
_tile_overlayer_lowered:
.L_overlay_start_2:
0x58: {  	(tag) =	ssettag $0x2  }
0x59: {  	s0 =	rddreg [dreg:$0x0];
	s2 =	stileid.u32  }
0x5a: {  	s1 =	rddreg [dreg:$0x1];
	p0 =	sne.s32 s2, $0x0  }
0x5b: {  	s3 =	rddreg [dreg:$0x2];
	[bflag:$0x3] =	sbarrier.arrive $0xFFFF;
	s2 =	simm.s32 @!p0 $0x1C04  }
0x5c: {  	[timem:s3], [sflag:s2] =	dma.local @!p0 [hbm:s0], s1  }
0x5d: {  	s0 =	simm.s32 @!p0 $0x4  }
0x5e: {  	_ =	swait.ge @!p0 [sflag:s0], s1  }
0x5f: {  	s1 =	ssub.s32 @!p0 $0x0, s1;
	[sflag:s0] =	ssyncset.done @!p0 $0x0  }
0x60: {  	[sflag:s0] =	ssyncadd.s32 @!p0 s1  }
0x61: {  	[bflag:$0x3] =	sbarrier.arrive $0xFFFF  }
0x62: {  	_ =	shalt  }

// kernel: kernel.15.cloned.1.call-start
scs
__scs_entry_jumppad:
0x0: {  	(pc) =	sbr.rel $0x88, $3  }
0x1: {  	(tag) =	ssettag $0x0;
	lr =	simm.s32 $0x1  }
0x2: {  	[smem:$0x3F9B] =	sst lr;
	_ =	strace $0xD0000000  }
0x3: {  	_ = 	snop  }
0x4: {  	_ = 	snop  }
0x5: {  	_ = 	snop  }
0x6: {  	_ = 	snop  }
0x7: {  	_ = 	snop  }
__scs_overlays_trampoline_lowered:
0x8: {  	[smem:$0x3FAA] =	sst s0  }
0x9: {  	[smem:$0x3FAB] =	sst s1  }
0xa: {  	[smem:$0x3FAC] =	sst s2  }
0xb: {  	[smem:$0x3FAD] =	sst s3  }
0xc: {  	[smem:$0x3FAE] =	sst s4  }
0xd: {  	[smem:$0x3FAF] =	sst s5  }
0xe: {  	[smem:$0x3FB0] =	sst s6  }
0xf: {  	[smem:$0x3FB1] =	sst s7  }
0x10: {  	[smem:$0x3FB2] =	sst s8  }
0x11: {  	[smem:$0x3FB3] =	sst s9;
	s0 =	simm.s32 @!p0 $0x0  }
0x12: {  	s1 =	sld [smem:$0x3F99];
	s0 =	simm.s32 @p0 $0x1  }
0x13: {  	[smem:$0x3FB4] =	sst s0;
	s0 =	simm.s32 @!p1 $0x0  }
0x14: {  	s2 =	sld [smem:$0x3F98];
	s0 =	simm.s32 @p1 $0x1  }
0x15: {  	[smem:$0x3FB5] =	sst s0;
	s0 =	simm.s32 @!p2 $0x0  }
0x16: {  	s3 =	sld [smem:$0x3FDB];
	s0 =	simm.s32 @p2 $0x1  }
0x17: {  	s4 =	simm.s32 $0x1BF5;
	[smem:$0x3FB7] =	sst s0  }
0x18: {  	s0 =	sld [smem:$0x3F9A];
	_ =	swait.ge [sflag:s4], $0x0  }
0x19: {  	s7 =	sld [smem:$0x3F9B]  }
0x1a: {  	s8 =	sadd.s32 $0xFFFFE003, lr  }
0x1b: {  	s9 =	sadd.s32 $0xFFFFFEF7, lr;
	s5 =	simm.s32 $0xFFFFFFFF;
	p2 =	slt.u32 s8, $0xFFFFF086  }
0x1c: {  	p1 =	slt.u32 s9, $0xF7A;
	s5 =	simm.s32 @!p2 $0x0  }
0x1d: {  	s5 =	simm.s32 @p1 $0x1;
	p0 =	seq.s32 s7, s2  }
0x1e: {  	s7 =	smul.u32 @!p0 $0xF7A, s2;
	p2 =	seq.s32 @!p0 s5, $0x0  }
0x1f: {  	s9 =	smul.u32 $0xF7A, s1;
	s8 =	simm.s32 @!p0 $0x1BF5;
	p2 =	por !p2, p0  }
0x20: {  	[sflag:s8] =	ssyncset.s32 @!p0 $0xFFFFF086;
	s6 =	sadd.s32 @!p0 s3, s7;
	s7 =	simm.s32 @!p0 $0x108  }
0x21: {  	s3 =	sadd.s32 s3, s9;
	s6 =	sadd.s32 @!p0 $0x88, s6;
	s7 =	simm.s32 @p2 $0x1082  }
0x22: {  	[simem:s7], [sflag:s8] =	dma.local @!p0 [hbm:s6], $0xF7A  }
0x23: {  	s9 =	sor.u32 $0xD0000000, s2;
	s6 =	simm.s32 $0x108;
	_ =	swait.ge @!p0 [sflag:s8], $0x0  }
0x24: {  	s3 =	sadd.s32 $0x88, s3;
	s6 =	simm.s32 @!p1 $0x1082;
	[sflag:s4] =	ssyncset.s32 $0xFFFFF086  }
0x25: {  	[simem:s6], [sflag:s4] =	dma.local [hbm:s3], $0xF7A  }
0x26: {  	[smem:$0x3F9B] =	sst s1;
	(tag) =	ssettag s2;
	_ =	strace s9  }
0x27: {  	s1 =	sld [smem:$0x3FAB]  }
0x28: {  	s2 =	sld [smem:$0x3FAC]  }
0x29: {  	s4 =	sld [smem:$0x3FAE]  }
0x2a: {  	p0 =	seq.s32 s5, $0x0;
	s5 =	sld [smem:$0x3FAF]  }
0x2b: {  	s6 =	sld [smem:$0x3FB0]  }
0x2c: {  	s7 =	sld [smem:$0x3FB1]  }
0x2d: {  	s3 =	simm.s32 $0x108;
	s8 =	sld [smem:$0x3FB2]  }
0x2e: {  	s3 =	simm.s32 @!p0 $0x1082;
	s9 =	sld [smem:$0x3FB3]  }
0x2f: {  	lr =	sadd.s32 s0, s3;
	s0 =	sld [smem:$0x3FAA]  }
0x30: {  	s3 =	sld [smem:$0x3FAD]  }
0x31: {  	[smem:$0x3FB6] =	sst s10  }
0x32: {  	s10 =	sld [smem:$0x3FB4];
	_ =	sdelay $0x3  }
0x33: {  	p0 =	seq.s32 s10, $0x1;
	s10 =	sld [smem:$0x3FB6];
	_ =	sdelay $0x3  }
0x34: {  	[smem:$0x3FB6] =	sst s10  }
0x35: {  	s10 =	sld [smem:$0x3FB5];
	_ =	sdelay $0x3  }
0x36: {  	p1 =	seq.s32 s10, $0x1;
	s10 =	sld [smem:$0x3FB6];
	_ =	sdelay $0x3  }
0x37: {  	[smem:$0x3FB6] =	sst s10  }
0x38: {  	s10 =	sld [smem:$0x3FB7]  }
0x39: {  	_ = 	snop;
	(pc) =	sbr.ind lr, $3  }
0x3a: {  	_ = 	snop  }
0x3b: {  	_ = 	snop  }
0x3c: {  	p2 =	seq.s32 s10, $0x1;
	s10 =	sld [smem:$0x3FB6]  }
0x3d: {  	_ =	shalt  }
0x3e: {  	_ =	shalt  }
0x3f: {  	_ =	shalt  }
0x40: {  	_ =	shalt  }
0x41: {  	_ =	shalt  }
0x42: {  	_ =	shalt  }
0x43: {  	_ =	shalt  }
0x44: {  	_ =	shalt  }
0x45: {  	_ =	shalt  }
0x46: {  	_ =	shalt  }
0x47: {  	_ =	shalt  }
0x48: {  	_ =	shalt  }
0x49: {  	_ =	shalt  }
0x4a: {  	_ =	shalt  }
0x4b: {  	_ =	shalt  }
0x4c: {  	_ =	shalt  }
0x4d: {  	_ =	shalt  }
0x4e: {  	_ =	shalt  }
0x4f: {  	_ =	shalt  }
0x50: {  	_ =	shalt  }
0x51: {  	_ =	shalt  }
0x52: {  	_ =	shalt  }
0x53: {  	_ =	shalt  }
0x54: {  	_ =	shalt  }
0x55: {  	_ =	shalt  }
0x56: {  	_ =	shalt  }
0x57: {  	_ =	shalt  }
0x58: {  	_ =	shalt  }
0x59: {  	_ =	shalt  }
0x5a: {  	_ =	shalt  }
0x5b: {  	_ =	shalt  }
0x5c: {  	_ =	shalt  }
0x5d: {  	_ =	shalt  }
0x5e: {  	_ =	shalt  }
0x5f: {  	_ =	shalt  }
0x60: {  	_ =	shalt  }
0x61: {  	_ =	shalt  }
0x62: {  	_ =	shalt  }
0x63: {  	_ =	shalt  }
0x64: {  	_ =	shalt  }
0x65: {  	_ =	shalt  }
0x66: {  	_ =	shalt  }
0x67: {  	_ =	shalt  }
0x68: {  	_ =	shalt  }
0x69: {  	_ =	shalt  }
0x6a: {  	_ =	shalt  }
0x6b: {  	_ =	shalt  }
0x6c: {  	_ =	shalt  }
0x6d: {  	_ =	shalt  }
0x6e: {  	_ =	shalt  }
0x6f: {  	_ =	shalt  }
0x70: {  	_ =	shalt  }
0x71: {  	_ =	shalt  }
0x72: {  	_ =	shalt  }
0x73: {  	_ =	shalt  }
0x74: {  	_ =	shalt  }
0x75: {  	_ =	shalt  }
0x76: {  	_ =	shalt  }
0x77: {  	_ =	shalt  }
0x78: {  	_ =	shalt  }
0x79: {  	_ =	shalt  }
0x7a: {  	_ =	shalt  }
0x7b: {  	_ =	shalt  }
0x7c: {  	_ =	shalt  }
0x7d: {  	_ =	shalt  }
0x7e: {  	_ =	shalt  }
0x7f: {  	_ =	shalt  }
0x80: {  	_ =	shalt  }
0x81: {  	_ =	shalt  }
0x82: {  	_ =	shalt  }
0x83: {  	_ =	shalt  }
0x84: {  	_ =	shalt  }
0x85: {  	_ =	shalt  }
0x86: {  	_ =	shalt  }
0x87: {  	_ =	shalt  }
.Lfunc_end0:
.L_simem_size_0:
called_computation.2_lowered:
.L_overlay_start_0:
0x88: {  	s2 =	sld [smem:$0x3FD9]  }
0x89: {  	s3 =	sld [smem:$0x3FFE];
	_ =	sdelay $0x1  }
0x8a: {  	s1 =	srdreg.scid  }
0x8b: {  	s0 =	sand.u32 $0x1, s1  }
0x8c: {  	s17 =	sshll.u32 s0, $0xA;
	s2 =	sadd.s32 s3, s2  }
0x8d: {  	s2 =	sadd.s32 s2, s17  }
0x8e: {  	[smem:$0x3FC2] =	sst s2  }
0x8f: {  	_ = 	snop  }
0x90: {  	s2 =	sld [smem:$0x3FD0];
	(tm) =	ssettm $0x1  }
0x91: {  	s18 =	sld [smem:$0x3FFB];
	_ =	sdelay $0x3  }
0x92: {  	_ =	strace s18  }
0x93: {  	s3 =	sld [smem:$0x3FFC];
	_ =	sdelay $0x3  }
0x94: {  	_ =	strace s3  }
0x95: {  	s3 =	sld [smem:$0x3FFD];
	_ =	sdelay $0x3  }
0x96: {  	_ =	strace s3  }
0x97: {  	_ =	strace $0x8FFFFFFF  }
0x98: {  	s19 =	sld [smem:$0x3FDB];
	_ =	sdelay $0x1  }
0x99: {  	s4 =	simm.s32 $_scs_section_size  }
0x9a: {  	s5 =	simm.s32 $_size__tile_overlayer_lowered;
	s6 =	simm.s32 $_tile_overlayer_lowered  }
0x9b: {  	s22 =	simm.s32 $0x1BFF;
	s21 =	sshll.u32 s6, $0x1;
	s3 =	sadd.s32 s4, s19  }
0x9c: {  	s7 =	simm.s32 $0x0;
	s20 =	sshll.u32 s5, $0x1;
	s5 =	sadd.s32 s21, s3  }
0x9d: {  	[timem:s7], [sflag:s22] =	dma.local [hbm:s5], s20  }
0x9e: {  	_ =	swait.ge [sflag:s22], s20  }
0x9f: {  	s4 =	ssub.s32 $0x0, s20;
	[sflag:s22] =	ssyncset.done $0x0  }
0xa0: {  	[sflag:s22] =	ssyncadd.s32 s4;
	_ =	sdelay $0x1  }
0xa1: {  	s23 =	simm.s32 $0x1B8B  }
0xa2: {  	_ =	swait.ge [sflag:s23], $0x1  }
0xa3: {  	[sflag:s23] =	ssyncset.done $0x0  }
0xa4: {  	s25 =	simm.s32 $0x1B8E;
	s24 =	sld [smem:$0x3FFE];
	[sflag:s23] =	ssyncadd.s32 $0xFFFFFFFF  }
0xa5: {  	s26 =	simm.s32 $execute0_lowered;
	[smem:$0x3FD2] =	sst s25  }
0xa6: {  	s5 =	sshll.u32 s26, $0x1;
	_ =	strace $0x8000004C;
	[dreg:$0x1] =	wrdreg $0xFFFFFFFF  }
0xa7: {  	s28 =	simm.s32 $_size_execute0_lowered;
	s3 =	sadd.s32 s3, s5;
	[dreg:$0x0] =	wrdreg $0x0  }
0xa8: {  	s5 =	sshll.u32 s28, $0x1;
	[dreg:$0x2] =	wrdreg s3  }
0xa9: {  	[dreg:$0x3] =	wrdreg s5  }
0xaa: {  	[dreg:$0x4] =	wrdreg $0xC0  }
0xab: {  	_ =	task [dreg:s7], $0x5FFFF  }
0xac: {  	[dreg:$0x1] =	wrdreg $0xFFFFFFFF  }
0xad: {  	[dreg:$0x0] =	wrdreg $0x60  }
0xae: {  	[dreg:$0x2] =	wrdreg s2  }
0xaf: {  	[dreg:$0x3] =	wrdreg s24  }
0xb0: {  	[dreg:$0x4] =	wrdreg $0x15D000  }
0xb1: {  	[dreg:$0x5] =	wrdreg $0x9  }
0xb2: {  	_ =	task.clear_ibuf [dreg:s7], $0x6FFFF;
	_ =	strace $0x9000004C  }
0xb3: {  	s29 =	simm.s32 $0x9;
	_ =	strace $0x8000004E  }
0xb4: {  	_ =	swait.ge [sflag:s29], $0x1  }
0xb5: {  	[sflag:s29] =	ssyncadd.s32 $0xFFFFFFFF  }
0xb6: {  	_ =	strace $0x9000004E  }
0xb7: {  	_ =	sfence  }
0xb8: {  	s30 =	sld [smem:$0x0];
	_ =	sdelay $0x2  }
0xb9: {  	s31 =	sshll.u32 s1, $0xD;
	s1 =	sshrl.u32 s1, $0x2  }
0xba: {  	s3 =	sand.u32 $0x4000, s31;
	s1 =	sadd.s32 s1, s30  }
0xbb: {  	s0 =	sor.u32 s3, s0;
	s1 =	sshll.u32 s1, $0x11  }
0xbc: {  	s0 =	sor.u32 s1, s0  }
0xbd: {  	s0 =	sadd.s32 $0x8F2B, s0  }
0xbe: {  	[sflag:s0] =	ssyncadd.remote.s32 $0x1  }
0xbf: {  	_ =	sfence.sel $0xFFFF  }
0xc0: {  	[dreg:$0x0] =	wrdreg $0xFFFFFFFF;
	(pc) =	sbr.abs _section_cstart, $3  }
0xc1: {  	[dreg:$0x1] =	wrdreg $0xFFFFFFFF  }
0xc2: {  	_ =	task.clear_ibuf [dreg:s7], $0x2FFFF;
	_ =	strace $0x9FFFFFFF  }
0xc3: {  	(tm) =	ssettm $0x7FFFFFFF  }
tec
execute0_lowered:
.L_overlay_start_1:
0x0: {  	(tag) =	ssettag $0x1  }
0x1: {  	s8 =	rddreg [dreg:$0x0]  }
0x2: {  	s4 =	rddreg [dreg:$0x1]  }
0x3: {  	s2 =	rddreg [dreg:$0x2]  }
0x4: {  	s0 =	rddreg [dreg:$0x3];
	s1 =	stileid.u32  }
0x5: {  	s6 =	srdreg.scid;
	s3 =	simm.s32 $0x0;
	s14 =	simm.s32 $0x9D00  }
0x6: {  	s15 =	simm.s32 $0xBD00;
	s16 =	simm.s32 $0x100;
	s17 =	simm.s32 $0xDD00  }
0x7: {  	s18 =	simm.s32 $0x1;
	s19 =	simm.s32 $0x2;
	s5 =	smul.u32 $0x9D0, s1  }
0x8: {  	s21 =	simm.s32 $0x4;
	s22 =	simm.s32 $0x0;
	s7 =	smul.u32 $0xA000, s1  }
0x9: {  	s6 =	sand.u32 $0x1, s6;
	[smem:$0x7FF] =	sst s3;
	s20 =	sshll.u32 s1, $0x6  }
0xa: {  	s9 =	smul.u32 $0xA0000, s6;
	_ =	strace $0x8000004D;
	s11 =	ssub.s32 $0x2, s6  }
0xb: {  	s31 =	smul.u32 $0x13880, s6;
	s5 =	sadd.s32 s5, s4;
	s10 =	sshrl.u32 s7, $0x3  }
0xc: {  	s12 =	sshrl.u32 s11, $0x1;
	s13 =	sadd.s32 s7, s2;
	s9 =	sadd.s32 s7, s9  }
0xd: {  	s10 =	sadd.s32 s10, s4;
	s11 =	ssub.s32 s11, s12;
	s7 =	sor.u32 $0x1C03, s20  }
0xe: {  	s8 =	sadd.s32 s8, s31;
	s12 =	simm.s32 $0x3;
	s20 =	sor.u32 $0x1C04, s20  }
0xf: {  	s9 =	sshrl.u32 s9, $0x3;
	s6 =	sadd.s32 $0x63E00, s10;
	s10 =	smax.u32 s11, $0x1  }
0x10: {  	s11 =	sshrl.u32 s13, $0x3;
	s13 =	simm.s32 $0x80;
	s9 =	sadd.s32 s9, s4  }
0x11: {  	s4 =	sadd.s32 $0x5A000, s5;
	s5 =	sadd.s32 $0x1A00, s5;
	s9 =	sadd.s32 $0x77E00, s9  }
.LBB2_1:
0x12: {  	[tilespmem:s3], [sflag:$0x3] =	stream.linear.gather [hbm4b:s4+s3], $0x4E80, $0x38;
	[tilespmem:$0x1FD00] =	vst v63  }
0x13: {  	s23 =	simm.s32 $0x4E80  }
0x14: {  	[tilespmem:s23], [sflag:$0x3] =	stream.linear.gather [hbm4b:s5+s3], $0x4E80, $0x38;
	[tilespmem:$0x1FD00] =	vst v63  }
0x15: {  	[spmem:s11], [sflag:s7] =	dma.local [hbm:s6], $0x1400  }
0x16: {  	_ =	swait.ge [sflag:s12], $0x4E80  }
0x17: {  	[sflag:s12] =	ssyncset.done $0x0  }
0x18: {  	[sflag:s12] =	ssyncadd.s32 $0xFFFFB180  }
0x19: {  	_ =	swait.ge [sflag:s12], $0x4E80  }
0x1a: {  	[sflag:s12] =	ssyncset.done $0x0  }
0x1b: {  	[sflag:s12] =	ssyncadd.s32 $0xFFFFB180  }
0x1c: {  	_ =	swait.ge [sflag:s12], $0x1400  }
0x1d: {  	[sflag:s12] =	ssyncset.done $0x0  }
0x1e: {  	[sflag:s12] =	ssyncadd.s32 $0xFFFFEC00  }
0x1f: {  	[bflag:$0x0] =	sbarrier.arrive $0xFFFF  }
0x20: {  	[tilespmem:s14], [sflag:$0x1] =	stream.indirect.gather [hbm4b:s8+s13], $0x40, s3, s13, $0xb8;
	[tilespmem:$0x1FD00] =	vst v63  }
0x21: {  	_ = 	snop  }
0x22: {  	[tilespmem:s15], [sflag:$0x1] =	stream.indirect.gather [hbm4b:s8+s13], $0x40, s13, s13, $0xb8;
	[tilespmem:$0x1FD00] =	vst v63  }
0x23: {  	s24 =	simm.s32 $0x180;
	s25 =	simm.s32 $0x0  }
0x24: {  	[tilespmem:s17], [sflag:$0x1] =	stream.indirect.gather [hbm4b:s8+s13], $0x40, s16, s13, $0xb8;
	[tilespmem:$0x1FD00] =	vst v63  }
.LBB2_2:
0x25: {  	s26 =	smul.u32 $0xAB, s25;
	_ =	sdelay $0x1  }
0x26: {  	s26 =	sshrl.u32 s26, $0xA  }
0x27: {  	s26 =	sand.u32 $0x3F, s26  }
0x28: {  	s26 =	smul.u32 $0x6, s26;
	_ =	sdelay $0x1  }
0x29: {  	s26 =	ssub.s32 s25, s26  }
0x2a: {  	_ =	swait.ge [sflag:s18], $0x2000;
	s26 =	sand.u32 $0xFF, s26  }
0x2b: {  	[sflag:s18] =	ssyncset.done $0x0;
	s26 =	sshll.u32 s26, $0xD  }
0x2c: {  	p0 =	slt.u32 s25, $0x2;
	[sflag:s18] =	ssyncadd.s32 $0xFFFFE000;
	s26 =	sadd.s32 $0x9D00, s26  }
0x2d: {  	[spmem:s2] =	stream.indirect.scatter.add.f32 [tilespmem:s26], [sflag:$0x2], $0x40, s23, s13, $0xb8;
	[tilespmem:$0x1FD00] =	vst v63  }
0x2e: {  	s26 =	simm.s32 @!p0 $0x2  }
0x2f: {  	p1 =	sgt.u32 @!p0 s25, $0x99;
	_ =	swait.ge @!p0 [sflag:s26], $0x2000  }
0x30: {  	p1 =	por p0, !p1;
	[sflag:s26] =	ssyncset.done @!p0 $0x0  }
0x31: {  	[sflag:s26] =	ssyncadd.s32 @!p0 $0xFFFFE000;
	s26 =	sadd.s32 @p1 $0x3, s25  }
0x32: {  	s28 =	smul.u32 @p1 $0xAB, s26;
	_ =	sdelay $0x1  }
0x33: {  	s28 =	sshrl.u32 @p1 s28, $0xA  }
0x34: {  	s28 =	sand.u32 @p1 $0x3F, s28  }
0x35: {  	s28 =	smul.u32 @p1 $0x6, s28  }
0x36: {  	s25 =	sadd.s32 $0x1, s25  }
0x37: {  	p0 =	sne.s32 s25, $0x9D;
	s26 =	ssub.s32 @p1 s26, s28  }
.Ltmp0:
0x38: {  	s26 =	sand.u32 @p1 $0xFF, s26;
	(pc) =	sbr.rel @p0 .LBB2_2-.Ltmp0, $4  }
0x39: {  	s26 =	sshll.u32 @p1 s26, $0xD  }
0x3a: {  	s26 =	sadd.s32 @p1 $0x9D00, s26  }
0x3b: {  	[tilespmem:s26], [sflag:$0x1] =	stream.indirect.gather @p1 [hbm4b:s8+s13], $0x40, s24, s13, $0xb8;
	[tilespmem:$0x1FD00] =	vst v63  }
0x3c: {  	s23 =	sadd.s32 $0x80, s23;
	s24 =	sadd.s32 $0x80, s24  }
0x3d: {  	_ =	swait.ge [sflag:s19], $0x2000  }
0x3e: {  	[sflag:s19] =	ssyncset.done $0x0  }
0x3f: {  	[sflag:s19] =	ssyncadd.s32 $0xFFFFE000  }
0x40: {  	_ =	swait.ge [sflag:s19], $0x2000  }
0x41: {  	s22 =	sadd.s32 $0x1, s22;
	[sflag:s19] =	ssyncset.done $0x0  }
0x42: {  	p0 =	sne.s32 s22, s10;
	[sflag:s19] =	ssyncadd.s32 $0xFFFFE000  }
.Ltmp1:
0x43: {  	[bflag:$0x0] =	sbarrier.arrive $0xFFFF;
	(pc) =	sbr.rel @p0 .LBB2_1-.Ltmp1, $4  }
0x44: {  	[hbm:s9], [sflag:s20] =	dma.local [spmem:s11], $0x1400  }
0x45: {  	_ =	swait.ge [sflag:s21], $0x1400  }
0x46: {  	[sflag:s21] =	ssyncset.done $0x0  }
0x47: {  	[sflag:s21] =	ssyncadd.s32 $0xFFFFEC00  }
0x48: {  	_ =	sfence.sel $0x180000  }
0x49: {  	[bflag:$0x0] =	sbarrier.arrive $0xFFFF  }
0x4a: {  	p0 =	sne.s32 s1, $0x0;
	_ =	strace $0x9000004D  }
0x4b: {  	s0 =	sadd.s32 @!p0 $0x100000, s0;
	[bflag:$0x2] =	sbarrier.arrive $0xFFFF  }
0x4c: {  	[sflag:s0] =	ssyncadd.tile.s32 @!p0 $0x1;
	_ =	shalt  }
.Lfunc_end2:
_tile_overlayer_lowered:
.L_overlay_start_2:
0x4d: {  	(tag) =	ssettag $0x2  }
0x4e: {  	s0 =	rddreg [dreg:$0x0];
	s2 =	stileid.u32  }
0x4f: {  	s1 =	rddreg [dreg:$0x1];
	p0 =	sne.s32 s2, $0x0  }
0x50: {  	s3 =	rddreg [dreg:$0x2];
	[bflag:$0x3] =	sbarrier.arrive $0xFFFF;
	s2 =	simm.s32 @!p0 $0x1C04  }
0x51: {  	[timem:s3], [sflag:s2] =	dma.local @!p0 [hbm:s0], s1  }
0x52: {  	s0 =	simm.s32 @!p0 $0x4  }
0x53: {  	_ =	swait.ge @!p0 [sflag:s0], s1  }
0x54: {  	s1 =	ssub.s32 @!p0 $0x0, s1;
	[sflag:s0] =	ssyncset.done @!p0 $0x0  }
0x55: {  	[sflag:s0] =	ssyncadd.s32 @!p0 s1  }
0x56: {  	[bflag:$0x3] =	sbarrier.arrive $0xFFFF  }
0x57: {  	_ =	shalt  }

// kernel: kernel.9.cloned.1.call-start
scs
__scs_entry_jumppad:
0x0: {  	(pc) =	sbr.rel $0x88, $3  }
0x1: {  	(tag) =	ssettag $0x0;
	lr =	simm.s32 $0x1  }
0x2: {  	[smem:$0x3F9B] =	sst lr;
	_ =	strace $0xD0000000  }
0x3: {  	_ = 	snop  }
0x4: {  	_ = 	snop  }
0x5: {  	_ = 	snop  }
0x6: {  	_ = 	snop  }
0x7: {  	_ = 	snop  }
__scs_overlays_trampoline_lowered:
0x8: {  	[smem:$0x3FAA] =	sst s0  }
0x9: {  	[smem:$0x3FAB] =	sst s1  }
0xa: {  	[smem:$0x3FAC] =	sst s2  }
0xb: {  	[smem:$0x3FAD] =	sst s3  }
0xc: {  	[smem:$0x3FAE] =	sst s4  }
0xd: {  	[smem:$0x3FAF] =	sst s5  }
0xe: {  	[smem:$0x3FB0] =	sst s6  }
0xf: {  	[smem:$0x3FB1] =	sst s7  }
0x10: {  	[smem:$0x3FB2] =	sst s8  }
0x11: {  	[smem:$0x3FB3] =	sst s9;
	s0 =	simm.s32 @!p0 $0x0  }
0x12: {  	s1 =	sld [smem:$0x3F99];
	s0 =	simm.s32 @p0 $0x1  }
0x13: {  	[smem:$0x3FB4] =	sst s0;
	s0 =	simm.s32 @!p1 $0x0  }
0x14: {  	s2 =	sld [smem:$0x3F98];
	s0 =	simm.s32 @p1 $0x1  }
0x15: {  	[smem:$0x3FB5] =	sst s0;
	s0 =	simm.s32 @!p2 $0x0  }
0x16: {  	s3 =	sld [smem:$0x3FDB];
	s0 =	simm.s32 @p2 $0x1  }
0x17: {  	s4 =	simm.s32 $0x1BF5;
	[smem:$0x3FB7] =	sst s0  }
0x18: {  	s0 =	sld [smem:$0x3F9A];
	_ =	swait.ge [sflag:s4], $0x0  }
0x19: {  	s7 =	sld [smem:$0x3F9B]  }
0x1a: {  	s8 =	sadd.s32 $0xFFFFE003, lr  }
0x1b: {  	s9 =	sadd.s32 $0xFFFFFEF7, lr;
	s5 =	simm.s32 $0xFFFFFFFF;
	p2 =	slt.u32 s8, $0xFFFFF086  }
0x1c: {  	p1 =	slt.u32 s9, $0xF7A;
	s5 =	simm.s32 @!p2 $0x0  }
0x1d: {  	s5 =	simm.s32 @p1 $0x1;
	p0 =	seq.s32 s7, s2  }
0x1e: {  	s7 =	smul.u32 @!p0 $0xF7A, s2;
	p2 =	seq.s32 @!p0 s5, $0x0  }
0x1f: {  	s9 =	smul.u32 $0xF7A, s1;
	s8 =	simm.s32 @!p0 $0x1BF5;
	p2 =	por !p2, p0  }
0x20: {  	[sflag:s8] =	ssyncset.s32 @!p0 $0xFFFFF086;
	s6 =	sadd.s32 @!p0 s3, s7;
	s7 =	simm.s32 @!p0 $0x108  }
0x21: {  	s3 =	sadd.s32 s3, s9;
	s6 =	sadd.s32 @!p0 $0x88, s6;
	s7 =	simm.s32 @p2 $0x1082  }
0x22: {  	[simem:s7], [sflag:s8] =	dma.local @!p0 [hbm:s6], $0xF7A  }
0x23: {  	s9 =	sor.u32 $0xD0000000, s2;
	s6 =	simm.s32 $0x108;
	_ =	swait.ge @!p0 [sflag:s8], $0x0  }
0x24: {  	s3 =	sadd.s32 $0x88, s3;
	s6 =	simm.s32 @!p1 $0x1082;
	[sflag:s4] =	ssyncset.s32 $0xFFFFF086  }
0x25: {  	[simem:s6], [sflag:s4] =	dma.local [hbm:s3], $0xF7A  }
0x26: {  	[smem:$0x3F9B] =	sst s1;
	(tag) =	ssettag s2;
	_ =	strace s9  }
0x27: {  	s1 =	sld [smem:$0x3FAB]  }
0x28: {  	s2 =	sld [smem:$0x3FAC]  }
0x29: {  	s4 =	sld [smem:$0x3FAE]  }
0x2a: {  	p0 =	seq.s32 s5, $0x0;
	s5 =	sld [smem:$0x3FAF]  }
0x2b: {  	s6 =	sld [smem:$0x3FB0]  }
0x2c: {  	s7 =	sld [smem:$0x3FB1]  }
0x2d: {  	s3 =	simm.s32 $0x108;
	s8 =	sld [smem:$0x3FB2]  }
0x2e: {  	s3 =	simm.s32 @!p0 $0x1082;
	s9 =	sld [smem:$0x3FB3]  }
0x2f: {  	lr =	sadd.s32 s0, s3;
	s0 =	sld [smem:$0x3FAA]  }
0x30: {  	s3 =	sld [smem:$0x3FAD]  }
0x31: {  	[smem:$0x3FB6] =	sst s10  }
0x32: {  	s10 =	sld [smem:$0x3FB4];
	_ =	sdelay $0x3  }
0x33: {  	p0 =	seq.s32 s10, $0x1;
	s10 =	sld [smem:$0x3FB6];
	_ =	sdelay $0x3  }
0x34: {  	[smem:$0x3FB6] =	sst s10  }
0x35: {  	s10 =	sld [smem:$0x3FB5];
	_ =	sdelay $0x3  }
0x36: {  	p1 =	seq.s32 s10, $0x1;
	s10 =	sld [smem:$0x3FB6];
	_ =	sdelay $0x3  }
0x37: {  	[smem:$0x3FB6] =	sst s10  }
0x38: {  	s10 =	sld [smem:$0x3FB7]  }
0x39: {  	_ = 	snop;
	(pc) =	sbr.ind lr, $3  }
0x3a: {  	_ = 	snop  }
0x3b: {  	_ = 	snop  }
0x3c: {  	p2 =	seq.s32 s10, $0x1;
	s10 =	sld [smem:$0x3FB6]  }
0x3d: {  	_ =	shalt  }
0x3e: {  	_ =	shalt  }
0x3f: {  	_ =	shalt  }
0x40: {  	_ =	shalt  }
0x41: {  	_ =	shalt  }
0x42: {  	_ =	shalt  }
0x43: {  	_ =	shalt  }
0x44: {  	_ =	shalt  }
0x45: {  	_ =	shalt  }
0x46: {  	_ =	shalt  }
0x47: {  	_ =	shalt  }
0x48: {  	_ =	shalt  }
0x49: {  	_ =	shalt  }
0x4a: {  	_ =	shalt  }
0x4b: {  	_ =	shalt  }
0x4c: {  	_ =	shalt  }
0x4d: {  	_ =	shalt  }
0x4e: {  	_ =	shalt  }
0x4f: {  	_ =	shalt  }
0x50: {  	_ =	shalt  }
0x51: {  	_ =	shalt  }
0x52: {  	_ =	shalt  }
0x53: {  	_ =	shalt  }
0x54: {  	_ =	shalt  }
0x55: {  	_ =	shalt  }
0x56: {  	_ =	shalt  }
0x57: {  	_ =	shalt  }
0x58: {  	_ =	shalt  }
0x59: {  	_ =	shalt  }
0x5a: {  	_ =	shalt  }
0x5b: {  	_ =	shalt  }
0x5c: {  	_ =	shalt  }
0x5d: {  	_ =	shalt  }
0x5e: {  	_ =	shalt  }
0x5f: {  	_ =	shalt  }
0x60: {  	_ =	shalt  }
0x61: {  	_ =	shalt  }
0x62: {  	_ =	shalt  }
0x63: {  	_ =	shalt  }
0x64: {  	_ =	shalt  }
0x65: {  	_ =	shalt  }
0x66: {  	_ =	shalt  }
0x67: {  	_ =	shalt  }
0x68: {  	_ =	shalt  }
0x69: {  	_ =	shalt  }
0x6a: {  	_ =	shalt  }
0x6b: {  	_ =	shalt  }
0x6c: {  	_ =	shalt  }
0x6d: {  	_ =	shalt  }
0x6e: {  	_ =	shalt  }
0x6f: {  	_ =	shalt  }
0x70: {  	_ =	shalt  }
0x71: {  	_ =	shalt  }
0x72: {  	_ =	shalt  }
0x73: {  	_ =	shalt  }
0x74: {  	_ =	shalt  }
0x75: {  	_ =	shalt  }
0x76: {  	_ =	shalt  }
0x77: {  	_ =	shalt  }
0x78: {  	_ =	shalt  }
0x79: {  	_ =	shalt  }
0x7a: {  	_ =	shalt  }
0x7b: {  	_ =	shalt  }
0x7c: {  	_ =	shalt  }
0x7d: {  	_ =	shalt  }
0x7e: {  	_ =	shalt  }
0x7f: {  	_ =	shalt  }
0x80: {  	_ =	shalt  }
0x81: {  	_ =	shalt  }
0x82: {  	_ =	shalt  }
0x83: {  	_ =	shalt  }
0x84: {  	_ =	shalt  }
0x85: {  	_ =	shalt  }
0x86: {  	_ =	shalt  }
0x87: {  	_ =	shalt  }
.Lfunc_end0:
.L_simem_size_0:
called_computation_lowered:
.L_overlay_start_0:
0x88: {  	s2 =	sld [smem:$0x3FD9]  }
0x89: {  	s3 =	sld [smem:$0x3FFE];
	_ =	sdelay $0x1  }
0x8a: {  	s1 =	srdreg.scid  }
0x8b: {  	s0 =	sand.u32 $0x1, s1  }
0x8c: {  	s17 =	sshll.u32 s0, $0xA;
	s2 =	sadd.s32 s3, s2  }
0x8d: {  	s2 =	sadd.s32 s2, s17  }
0x8e: {  	[smem:$0x3FC2] =	sst s2  }
0x8f: {  	_ = 	snop  }
0x90: {  	s2 =	sld [smem:$0x3FD0];
	(tm) =	ssettm $0x1  }
0x91: {  	s18 =	sld [smem:$0x3FFB];
	_ =	sdelay $0x3  }
0x92: {  	_ =	strace s18  }
0x93: {  	s3 =	sld [smem:$0x3FFC];
	_ =	sdelay $0x3  }
0x94: {  	_ =	strace s3  }
0x95: {  	s3 =	sld [smem:$0x3FFD];
	_ =	sdelay $0x3  }
0x96: {  	_ =	strace s3  }
0x97: {  	_ =	strace $0x8FFFFFFF  }
0x98: {  	s19 =	sld [smem:$0x3FDB];
	_ =	sdelay $0x1  }
0x99: {  	s4 =	simm.s32 $_scs_section_size  }
0x9a: {  	s5 =	simm.s32 $_size__tile_overlayer_lowered;
	s6 =	simm.s32 $_tile_overlayer_lowered  }
0x9b: {  	s22 =	simm.s32 $0x1BFF;
	s21 =	sshll.u32 s6, $0x1;
	s3 =	sadd.s32 s4, s19  }
0x9c: {  	s7 =	simm.s32 $0x0;
	s20 =	sshll.u32 s5, $0x1;
	s5 =	sadd.s32 s21, s3  }
0x9d: {  	[timem:s7], [sflag:s22] =	dma.local [hbm:s5], s20  }
0x9e: {  	_ =	swait.ge [sflag:s22], s20  }
0x9f: {  	s4 =	ssub.s32 $0x0, s20;
	[sflag:s22] =	ssyncset.done $0x0  }
0xa0: {  	[sflag:s22] =	ssyncadd.s32 s4;
	_ =	sdelay $0x1  }
0xa1: {  	s23 =	simm.s32 $0x1B8B  }
0xa2: {  	_ =	swait.ge [sflag:s23], $0x1  }
0xa3: {  	[sflag:s23] =	ssyncset.done $0x0  }
0xa4: {  	s25 =	simm.s32 $0x1B8E;
	s24 =	sld [smem:$0x3FFE];
	[sflag:s23] =	ssyncadd.s32 $0xFFFFFFFF  }
0xa5: {  	s26 =	simm.s32 $execute0_lowered;
	[smem:$0x3FD2] =	sst s25  }
0xa6: {  	s5 =	sshll.u32 s26, $0x1;
	_ =	strace $0x80000046;
	[dreg:$0x1] =	wrdreg $0xFFFFFFFF  }
0xa7: {  	s28 =	simm.s32 $_size_execute0_lowered;
	s3 =	sadd.s32 s3, s5;
	[dreg:$0x0] =	wrdreg $0x0  }
0xa8: {  	s5 =	sshll.u32 s28, $0x1;
	[dreg:$0x2] =	wrdreg s3  }
0xa9: {  	[dreg:$0x3] =	wrdreg s5  }
0xaa: {  	[dreg:$0x4] =	wrdreg $0xC0  }
0xab: {  	_ =	task [dreg:s7], $0x5FFFF  }
0xac: {  	[dreg:$0x1] =	wrdreg $0xFFFFFFFF  }
0xad: {  	[dreg:$0x0] =	wrdreg $0x60  }
0xae: {  	[dreg:$0x2] =	wrdreg s24  }
0xaf: {  	[dreg:$0x3] =	wrdreg s2  }
0xb0: {  	[dreg:$0x4] =	wrdreg $0x4F000  }
0xb1: {  	[dreg:$0x5] =	wrdreg $0x9  }
0xb2: {  	_ =	task.clear_ibuf [dreg:s7], $0x6FFFF;
	_ =	strace $0x90000046  }
0xb3: {  	s29 =	simm.s32 $0x9;
	_ =	strace $0x80000048  }
0xb4: {  	_ =	swait.ge [sflag:s29], $0x1  }
0xb5: {  	[sflag:s29] =	ssyncadd.s32 $0xFFFFFFFF  }
0xb6: {  	_ =	strace $0x90000048  }
0xb7: {  	_ =	sfence  }
0xb8: {  	s30 =	sld [smem:$0x0];
	_ =	sdelay $0x2  }
0xb9: {  	s31 =	sshll.u32 s1, $0xD;
	s1 =	sshrl.u32 s1, $0x2  }
0xba: {  	s3 =	sand.u32 $0x4000, s31;
	s1 =	sadd.s32 s1, s30  }
0xbb: {  	s0 =	sor.u32 s3, s0;
	s1 =	sshll.u32 s1, $0x11  }
0xbc: {  	s0 =	sor.u32 s1, s0  }
0xbd: {  	s0 =	sadd.s32 $0x8F2B, s0  }
0xbe: {  	[sflag:s0] =	ssyncadd.remote.s32 $0x1  }
0xbf: {  	_ =	sfence.sel $0xFFFF  }
0xc0: {  	[dreg:$0x0] =	wrdreg $0xFFFFFFFF;
	(pc) =	sbr.abs _section_cstart, $3  }
0xc1: {  	[dreg:$0x1] =	wrdreg $0xFFFFFFFF  }
0xc2: {  	_ =	task.clear_ibuf [dreg:s7], $0x2FFFF;
	_ =	strace $0x9FFFFFFF  }
0xc3: {  	(tm) =	ssettm $0x7FFFFFFF  }
tec
execute0_lowered:
.L_overlay_start_1:
0x0: {  	(tag) =	ssettag $0x1  }
0x1: {  	s4 =	rddreg [dreg:$0x0]  }
0x2: {  	s6 =	rddreg [dreg:$0x1]  }
0x3: {  	s2 =	rddreg [dreg:$0x2]  }
0x4: {  	s0 =	rddreg [dreg:$0x3];
	s3 =	simm.s32 $0x0;
	s1 =	stileid.u32  }
0x5: {  	s7 =	srdreg.scid;
	s12 =	simm.s32 $0x4E80;
	s13 =	simm.s32 $0x100  }
0x6: {  	s14 =	simm.s32 $0x180;
	s15 =	simm.s32 $0x1;
	s5 =	smul.u32 $0x280, s1  }
0x7: {  	s16 =	simm.s32 $0x0;
	[smem:$0x7FF] =	sst s3;
	s8 =	smul.u32 $0x9D0, s1  }
0x8: {  	s7 =	sand.u32 $0x1, s7;
	s31 =	sshll.u32 s1, $0x6;
	_ =	strace $0x80000047  }
0x9: {  	s10 =	ssub.s32 $0x2, s7;
	s7 =	smul.u32 $0x2800, s7;
	s9 =	sshrl.u32 s5, $0x3  }
0xa: {  	s8 =	sadd.s32 s8, s4;
	s30 =	sshrl.u32 s10, $0x1;
	s11 =	sadd.s32 s5, s2  }
0xb: {  	s9 =	sadd.s32 s9, s4;
	s10 =	ssub.s32 s10, s30;
	s7 =	sadd.s32 s5, s7  }
0xc: {  	s4 =	sadd.s32 $0x1A00, s8;
	s8 =	simm.s32 $0x2;
	s7 =	sshrl.u32 s7, $0x3  }
0xd: {  	s5 =	sadd.s32 $0xB800, s9;
	s9 =	sor.u32 $0x1C02, s31;
	s6 =	sadd.s32 s6, s7  }
0xe: {  	v0 =	vimm.f32 $5.000000000e-01;
	s7 =	smax.u32 s10, $0x1;
	s10 =	sshrl.u32 s11, $0x3;
	s11 =	simm.s32 $0x80  }
.LBB2_1:
0xf: {  	[tilespmem:s3], [sflag:$0x2] =	stream.linear.gather [hbm4b:s4+s3], $0x4E80, $0x38;
	[tilespmem:$0x5180] =	vst v63  }
0x10: {  	_ =	swait.ge [sflag:s8], $0x4E80  }
0x11: {  	[sflag:s8] =	ssyncset.done $0x0  }
0x12: {  	[sflag:s8] =	ssyncadd.s32 $0xFFFFB180  }
0x13: {  	[tilespmem:$0x4E80] =	vst v0  }
0x14: {  	[tilespmem:$0x4E90] =	vst v0  }
0x15: {  	[tilespmem:$0x4EA0] =	vst v0  }
0x16: {  	[tilespmem:$0x4EB0] =	vst v0  }
0x17: {  	[tilespmem:$0x4EC0] =	vst v0  }
0x18: {  	[tilespmem:$0x4ED0] =	vst v0  }
0x19: {  	[tilespmem:$0x4EE0] =	vst v0  }
0x1a: {  	[tilespmem:$0x4EF0] =	vst v0  }
0x1b: {  	[spmem:s10], [sflag:s9] =	dma.local [hbm:s5], $0x50  }
0x1c: {  	_ =	swait.ge [sflag:s8], $0x50  }
0x1d: {  	[sflag:s8] =	ssyncset.done $0x0  }
0x1e: {  	[sflag:s8] =	ssyncadd.s32 $0xFFFFFFB0  }
0x1f: {  	[bflag:$0x0] =	sbarrier.arrive $0xFFFF  }
0x20: {  	[spmem:s2] =	stream.indirect.scatter.add.f32 [tilespmem:s12], [sflag:$0x1], $0x1, s3, s11, $0xb8;
	[tilespmem:$0x5180] =	vst v63  }
0x21: {  	_ = 	snop  }
0x22: {  	[spmem:s2] =	stream.indirect.scatter.add.f32 [tilespmem:s12], [sflag:$0x1], $0x1, s11, s11, $0xb8;
	[tilespmem:$0x5180] =	vst v63  }
0x23: {  	_ = 	snop  }
0x24: {  	[spmem:s2] =	stream.indirect.scatter.add.f32 [tilespmem:s12], [sflag:$0x1], $0x1, s13, s11, $0xb8;
	[tilespmem:$0x5180] =	vst v63  }
0x25: {  	_ = 	snop  }
0x26: {  	[spmem:s2] =	stream.indirect.scatter.add.f32 [tilespmem:s12], [sflag:$0x1], $0x1, s14, s11, $0xb8;
	[tilespmem:$0x5180] =	vst v63  }
0x27: {  	s17 =	simm.s32 $0x200  }
0x28: {  	[spmem:s2] =	stream.indirect.scatter.add.f32 [tilespmem:s12], [sflag:$0x1], $0x1, s17, s11, $0xb8;
	[tilespmem:$0x5180] =	vst v63  }
0x29: {  	_ =	swait.ge [sflag:s15], $0x80  }
0x2a: {  	s17 =	simm.s32 $0xA00;
	[sflag:s15] =	ssyncset.done $0x0  }
.LBB2_2:
0x2b: {  	s18 =	sshra.s32 s17, $0x2;
	[sflag:s15] =	ssyncadd.s32 $0xFFFFFF80;
	p0 =	sne.s32 s17, $0x13800  }
0x2c: {  	[spmem:s2] =	stream.indirect.scatter.add.f32 [tilespmem:s12], [sflag:$0x1], $0x1, s18, s11, $0xb8;
	[tilespmem:$0x5180] =	vst v63  }
.Ltmp0:
0x2d: {  	_ = 	snop;
	(pc) =	sbr.rel @p0 .LBB2_2-.Ltmp0, $4  }
0x2e: {  	_ = 	snop  }
0x2f: {  	s17 =	sadd.s32 $0x200, s17  }
0x30: {  	_ =	swait.ge [sflag:s15], $0x80  }
0x31: {  	[sflag:s15] =	ssyncset.done $0x0  }
0x32: {  	[sflag:s15] =	ssyncadd.s32 $0xFFFFFF80  }
0x33: {  	_ =	swait.ge [sflag:s15], $0x80  }
0x34: {  	[sflag:s15] =	ssyncset.done $0x0  }
0x35: {  	[sflag:s15] =	ssyncadd.s32 $0xFFFFFF80  }
0x36: {  	_ =	swait.ge [sflag:s15], $0x80  }
0x37: {  	[sflag:s15] =	ssyncset.done $0x0  }
0x38: {  	[sflag:s15] =	ssyncadd.s32 $0xFFFFFF80  }
0x39: {  	_ =	swait.ge [sflag:s15], $0x80  }
0x3a: {  	[sflag:s15] =	ssyncset.done $0x0  }
0x3b: {  	[sflag:s15] =	ssyncadd.s32 $0xFFFFFF80  }
0x3c: {  	_ =	swait.ge [sflag:s15], $0x80  }
0x3d: {  	s16 =	sadd.s32 $0x1, s16;
	[sflag:s15] =	ssyncset.done $0x0  }
0x3e: {  	p0 =	sne.s32 s16, s7;
	[sflag:s15] =	ssyncadd.s32 $0xFFFFFF80  }
.Ltmp1:
0x3f: {  	[bflag:$0x0] =	sbarrier.arrive $0xFFFF;
	(pc) =	sbr.rel @p0 .LBB2_1-.Ltmp1, $4  }
0x40: {  	[hbm:s6], [sflag:s9] =	dma.local [spmem:s10], $0x50  }
0x41: {  	_ =	swait.ge [sflag:s8], $0x50  }
0x42: {  	[sflag:s8] =	ssyncset.done $0x0  }
0x43: {  	[sflag:s8] =	ssyncadd.s32 $0xFFFFFFB0  }
0x44: {  	_ =	sfence.sel $0x180000  }
0x45: {  	[bflag:$0x0] =	sbarrier.arrive $0xFFFF  }
0x46: {  	p0 =	sne.s32 s1, $0x0;
	_ =	strace $0x90000047  }
0x47: {  	s0 =	sadd.s32 @!p0 $0x100000, s0;
	[bflag:$0x2] =	sbarrier.arrive $0xFFFF  }
0x48: {  	[sflag:s0] =	ssyncadd.tile.s32 @!p0 $0x1;
	_ =	shalt  }
.Lfunc_end2:
_tile_overlayer_lowered:
.L_overlay_start_2:
0x49: {  	(tag) =	ssettag $0x2  }
0x4a: {  	s0 =	rddreg [dreg:$0x0];
	s2 =	stileid.u32  }
0x4b: {  	s1 =	rddreg [dreg:$0x1];
	p0 =	sne.s32 s2, $0x0  }
0x4c: {  	s3 =	rddreg [dreg:$0x2];
	[bflag:$0x3] =	sbarrier.arrive $0xFFFF;
	s2 =	simm.s32 @!p0 $0x1C02  }
0x4d: {  	[timem:s3], [sflag:s2] =	dma.local @!p0 [hbm:s0], s1  }
0x4e: {  	s0 =	simm.s32 @!p0 $0x2  }
0x4f: {  	_ =	swait.ge @!p0 [sflag:s0], s1  }
0x50: {  	s1 =	ssub.s32 @!p0 $0x0, s1;
	[sflag:s0] =	ssyncset.done @!p0 $0x0  }
0x51: {  	[sflag:s0] =	ssyncadd.s32 @!p0 s1  }
0x52: {  	[bflag:$0x3] =	sbarrier.arrive $0xFFFF  }
0x53: {  	_ =	shalt  }

</sc_bundles>
